<compile_context>
chip_gen: v7x
topology: tpu7x:2x2x1
jax: 0.10.2.dev20260603
libtpu: 0.0.44.dev20260713+nightly
codegen_flags: <defaults>
</compile_context>

<pallas_src>
import functools

import jax
import jax.numpy as jnp
from jax import lax
from jax.experimental import pallas as pl
from jax.experimental.pallas import tpu as pltpu
from jax.experimental.pallas import tpu_sc as plsc

N_EMB = 8192
DIM = 256
N_TOK = 16384
COMMIT = 0.25

BR = 1024
BC = 1024
R = N_TOK // BR
C = N_EMB // BC

NW = 32
PER_W = N_TOK // NW
GCH = 128


def _argmin_body(x_ref, w_ref, idx_ref, sumd_ref, best_val, best_idx):
    c = pl.program_id(1)
    x = x_ref[...]
    w = w_ref[...]
    mm = lax.dot_general(x, w, (((1,), (1,)), ((), ())),
                         preferred_element_type=jnp.float32)
    xsq = jnp.sum(x * x, axis=1, keepdims=True)
    wsq = jnp.sum(w * w, axis=1)[None, :]
    d = (xsq + wsq) - 2.0 * mm
    dmin = jnp.min(d, axis=1, keepdims=True)
    jcol = lax.broadcasted_iota(jnp.int32, (BR, BC), 1)
    lidx = jnp.min(jnp.where(d == dmin, jcol, N_EMB), axis=1, keepdims=True)
    gidx = c * BC + lidx

    @pl.when(c == 0)
    def _():
        best_val[...] = dmin
        best_idx[...] = gidx

    @pl.when(c > 0)
    def _():
        better = dmin < best_val[...]
        best_val[...] = jnp.where(better, dmin, best_val[...])
        best_idx[...] = jnp.where(better, gidx, best_idx[...])

    @pl.when((pl.program_id(0) == 0) & (c == 0))
    def _():
        sumd_ref[...] = jnp.zeros((1, 1), jnp.float32)

    @pl.when(c == C - 1)
    def _():
        idx_ref[...] = best_idx[...]
        sumd_ref[...] += jnp.sum(best_val[...]).reshape(1, 1)


_argmin_call = pl.pallas_call(
    _argmin_body,
    grid=(R, C),
    in_specs=[
        pl.BlockSpec((BR, DIM), lambda r, c: (r, 0)),
        pl.BlockSpec((BC, DIM), lambda r, c: (c, 0)),
    ],
    out_specs=[
        pl.BlockSpec((BR, 1), lambda r, c: (r, 0)),
        pl.BlockSpec((1, 1), lambda r, c: (0, 0)),
    ],
    out_shape=[
        jax.ShapeDtypeStruct((N_TOK, 1), jnp.int32),
        jax.ShapeDtypeStruct((1, 1), jnp.float32),
    ],
    scratch_shapes=[
        pltpu.VMEM((BR, 1), jnp.float32),
        pltpu.VMEM((BR, 1), jnp.int32),
    ],
    compiler_params=pltpu.CompilerParams(
        dimension_semantics=("arbitrary", "arbitrary")),
)


@functools.cache
def _sc_gather_hist_call():
    @functools.partial(
        pl.kernel,
        mesh=plsc.VectorSubcoreMesh(core_axis_name="c", subcore_axis_name="s"),
        out_type=[
            jax.ShapeDtypeStruct((N_TOK, DIM), jnp.float32),
            jax.ShapeDtypeStruct((NW, N_EMB), jnp.int32),
        ],
        scratch_types=[
            pltpu.VMEM((PER_W,), jnp.int32),
            pltpu.VMEM((PER_W // GCH, GCH), jnp.int32),
            pltpu.VMEM((GCH, DIM), jnp.float32),
            pltpu.VMEM((N_EMB,), jnp.int32),
            pltpu.SemaphoreType.DMA,
        ],
        compiler_params=pltpu.CompilerParams(needs_layout_passes=False),
    )
    def _sc_gather_hist(w_hbm, idx_hbm, out_hbm, hist_hbm,
                        idx_flat, idx_2d, rows_v, hist_v, sem):
        wid = lax.axis_index("s") * 2 + lax.axis_index("c")
        base = wid * PER_W
        pltpu.sync_copy(idx_hbm.at[pl.ds(base, PER_W)], idx_flat)

        def _zero(i, carry):
            hist_v[pl.ds(i * 16, 16)] = jnp.zeros((16,), jnp.int32)
            return carry
        lax.fori_loop(0, N_EMB // 16, _zero, 0)

        ones = jnp.ones((16,), jnp.int32)

        def _hist(i, carry):
            ii = idx_flat[pl.ds(i * 16, 16)]
            plsc.addupdate_scatter(hist_v, [ii], ones)
            return carry
        lax.fori_loop(0, PER_W // 16, _hist, 0)
        pltpu.sync_copy(hist_v, hist_hbm.at[wid])

        for ch in range(PER_W // GCH):
            pltpu.sync_copy(idx_hbm.at[pl.ds(base + ch * GCH, GCH)],
                            idx_2d.at[ch])
            pltpu.async_copy(w_hbm.at[idx_2d.at[ch]], rows_v, sem).wait()
            pltpu.sync_copy(rows_v, out_hbm.at[pl.ds(base + ch * GCH, GCH)])

    return _sc_gather_hist


def _fin_body(sumd_ref, hist_ref, loss_ref, perp_ref):
    counts = jnp.sum(hist_ref[...].astype(jnp.float32), axis=0, keepdims=True)
    p = counts * (1.0 / N_TOK)
    ent = jnp.sum(p * jnp.log(p + 1e-10))
    loss_ref[...] = sumd_ref[...] * ((1.0 + COMMIT) / (N_TOK * DIM))
    perp_ref[...] = jnp.exp(-ent).reshape(1, 1)


_fin_call = pl.pallas_call(
    _fin_body,
    out_shape=[
        jax.ShapeDtypeStruct((1, 1), jnp.float32),
        jax.ShapeDtypeStruct((1, 1), jnp.float32),
    ],
)


def kernel(inputs, weight):
    flat = inputs.reshape(-1, DIM)
    idx2d, sumd = _argmin_call(flat, weight)
    idx = idx2d[:, 0]
    quant, hists = _sc_gather_hist_call()(weight, idx)
    loss2, perp2 = _fin_call(sumd, hists)
    return quant.reshape(inputs.shape), loss2[0, 0], perp2[0, 0]

# --- scband reference (transcript-rebuilt; emitter-appended) ---
"""Pipeline reference for scband-vector-quantizer-27891517620807 (READ-ONLY COPY).

The authoritative reference and input builder live on the scoring server;
editing this copy changes nothing except your own understanding.
"""

import jax, jax.numpy as jnp
import numpy as np

NUM_EMBEDDINGS = 8192
EMBEDDING_DIM = 256
COMMITMENT_COST = 0.25


def setup_inputs(seed: int = 0) -> dict:
    key = jax.random.key(seed)
    k1, k2 = jax.random.split(key)
    inputs = jax.random.normal(k1, (16, 1024, EMBEDDING_DIM), dtype=jnp.float32)
    # embedding.weight.data.uniform_(-1/num_embeddings, 1/num_embeddings)
    weight = jax.random.uniform(
        k2, (NUM_EMBEDDINGS, EMBEDDING_DIM), dtype=jnp.float32,
        minval=-1.0 / NUM_EMBEDDINGS, maxval=1.0 / NUM_EMBEDDINGS)
    return {"inputs": inputs, "weight": weight}


def reference(inputs, weight):
    input_shape = inputs.shape
    flat_input = inputs.reshape(-1, EMBEDDING_DIM)
    distances = (jnp.sum(flat_input ** 2, axis=1, keepdims=True)
                 + jnp.sum(weight ** 2, axis=1)
                 - 2.0 * jnp.matmul(flat_input, weight.T))
    encoding_indices = jnp.argmin(distances, axis=1)
    encodings = jax.nn.one_hot(encoding_indices, NUM_EMBEDDINGS, dtype=jnp.float32)
    quantized = jnp.matmul(encodings, weight).reshape(input_shape)
    # straight-through estimator
    quantized = inputs + jax.lax.stop_gradient(quantized - inputs)
    e_latent_loss = jnp.mean((jax.lax.stop_gradient(quantized) - inputs) ** 2)
    q_latent_loss = jnp.mean((quantized - jax.lax.stop_gradient(inputs)) ** 2)
    loss = q_latent_loss + COMMITMENT_COST * e_latent_loss
    avg_probs = jnp.mean(encodings, axis=0)
    perplexity = jnp.exp(-jnp.sum(avg_probs * jnp.log(avg_probs + 1e-10)))
    return (quantized, loss, perplexity)

if __name__ == "__main__":
    import jax
    _d = setup_inputs()
    print(jax.jit(kernel)(*tuple(_d.values())))

</pallas_src>

<mosaic_0001>
#map = affine_map<(d0, d1) -> (0, 0)>
#map1 = affine_map<(d0, d1) -> (0)>
module attributes {stable_mosaic.version = 14 : i64} {
  func.func @_sc_gather_hist(%arg0: i32, %arg1: i32, %arg2: memref<8192x256xf32, #tpu.memory_space<hbm>>, %arg3: memref<16384xi32, #tpu.memory_space<hbm>>, %arg4: memref<16384x256xf32, #tpu.memory_space<hbm>>, %arg5: memref<32x8192xi32, #tpu.memory_space<hbm>>, %arg6: memref<512xi32, #tpu.memory_space<vmem>>, %arg7: memref<4x128xi32, #tpu.memory_space<vmem>>, %arg8: memref<128x256xf32, #tpu.memory_space<vmem>>, %arg9: memref<8192xi32, #tpu.memory_space<vmem>>, %arg10: memref<!tpu.dma_semaphore, #tpu.memory_space<semaphore_mem>>) attributes {dimension_semantics = [#tpu.dimension_semantics<core_parallel>, #tpu.dimension_semantics<subcore_parallel>], iteration_bounds = array<i64: 2, 16>, scalar_prefetch = 0 : i64, scratch_operands = 5 : i64, tpu.core_type = #tpu.core_type<sc_vector_subcore>, window_params = [{transform_indices = #map}, {transform_indices = #map1}, {transform_indices = #map}, {transform_indices = #map}]} {
    %mul3A = arith.constant 2 : i32
    %mul3A_0 = arith.muli %arg1, %mul3A : i32
    %add3A = arith.addi %mul3A_0, %arg0 : i32
    %mul3A_1 = arith.constant 512 : i32
    %mul3A_2 = arith.muli %add3A, %mul3A_1 : i32
    "tpu.region"() ({
      %run_scoped3A_88 = tpu.sem_alloc : memref<!tpu.dma_semaphore, #tpu.memory_space<semaphore_mem>>
      %dma_start3A_89 = tpu.memref_slice %arg3[%mul3A_2] : memref<16384xi32, #tpu.memory_space<hbm>> -> memref<512xi32, #tpu.memory_space<hbm>>
      %dma_start3A_90 = tpu.memref_slice %arg3[%mul3A_2] : memref<16384xi32, #tpu.memory_space<hbm>> -> memref<512xi32, #tpu.memory_space<hbm>>
      tpu.enqueue_dma source(%dma_start3A_90 : memref<512xi32, #tpu.memory_space<hbm>>) target(%arg6 : memref<512xi32, #tpu.memory_space<vmem>>) target_semaphore(%run_scoped3A_88 : memref<!tpu.dma_semaphore, #tpu.memory_space<semaphore_mem>>)
      %dma_wait3A_91 = tpu.memref_slice %arg3[%mul3A_2] : memref<16384xi32, #tpu.memory_space<hbm>> -> memref<512xi32, #tpu.memory_space<hbm>>
      %dma_wait3A_92 = tpu.memref_slice %arg3[%mul3A_2] : memref<16384xi32, #tpu.memory_space<hbm>> -> memref<512xi32, #tpu.memory_space<hbm>>
      tpu.wait_dma2 semaphore(%run_scoped3A_88 : memref<!tpu.dma_semaphore, #tpu.memory_space<semaphore_mem>>) src(%dma_wait3A_92 : memref<512xi32, #tpu.memory_space<hbm>>) dst(%arg6 : memref<512xi32, #tpu.memory_space<vmem>>)
      tpu.yield
    }) : () -> ()
    %scan3A = arith.constant 0 : i32
    %scan3A_3 = arith.constant 0 : i32
    %scan3A_4 = arith.constant 512 : i32
    %scan3A_5 = arith.addi %scan3A_3, %scan3A_4 : i32
    %scan3A_6 = arith.constant 1 : i32
    scf.for %scan3A_88 = %scan3A_3 to %scan3A_5 step %scan3A_6  : i32 {
      %broadcast_in_dim3A_89 = arith.constant 0 : i32
      %broadcast_in_dim3A_90 = vector.broadcast %broadcast_in_dim3A_89 : i32 to vector<16xi32>
      %mul3A_91 = arith.constant 16 : i32
      %mul3A_92 = arith.muli %scan3A_88, %mul3A_91 : i32
      %swap3A = arith.index_cast %mul3A_92 : i32 to index
      %swap3A_93 = tpu.vector_load %arg9[%swap3A] {strides = array<i32>} : memref<8192xi32, #tpu.memory_space<vmem>>, vector<16xi32>,
      tpu.vector_store %arg9[%swap3A], %broadcast_in_dim3A_90 {strides = array<i32>} : memref<8192xi32, #tpu.memory_space<vmem>>, vector<16xi32>,
    }
    %scan3A_7 = arith.constant 512 : i32
    %broadcast_in_dim3A = arith.constant 1 : i32
    %broadcast_in_dim3A_8 = vector.broadcast %broadcast_in_dim3A : i32 to vector<16xi32>
    %scan3A_9 = arith.constant 0 : i32
    %scan3A_10 = arith.constant 0 : i32
    %scan3A_11 = arith.constant 32 : i32
    %scan3A_12 = arith.addi %scan3A_10, %scan3A_11 : i32
    %scan3A_13 = arith.constant 1 : i32
    scf.for %scan3A_88 = %scan3A_10 to %scan3A_12 step %scan3A_13  : i32 {
      %mul3A_89 = arith.constant 16 : i32
      %mul3A_90 = arith.muli %scan3A_88, %mul3A_89 : i32
      %get3A = arith.index_cast %mul3A_90 : i32 to index
      %get3A_91 = tpu.vector_load %arg6[%get3A] {strides = array<i32>} : memref<512xi32, #tpu.memory_space<vmem>>, vector<16xi32>,
      tpu.vector_store_idx %arg9[%get3A_91], %broadcast_in_dim3A_8 {add = true} : memref<8192xi32, #tpu.memory_space<vmem>>[vector<16xi32>], vector<16xi32>,
    }
    %scan3A_14 = arith.constant 32 : i32
    "tpu.region"() ({
      %run_scoped3A_88 = tpu.sem_alloc : memref<!tpu.dma_semaphore, #tpu.memory_space<semaphore_mem>>
      %dma_start3A_89 = arith.constant 0 : i32
      %dma_start3A_90 = tpu.memref_slice %arg5[%add3A, %dma_start3A_89] : memref<32x8192xi32, #tpu.memory_space<hbm>> -> memref<1x8192xi32, #tpu.memory_space<hbm>>
      %dma_start3A_91 = tpu.memref_squeeze %dma_start3A_90 : memref<1x8192xi32, #tpu.memory_space<hbm>> -> memref<8192xi32, #tpu.memory_space<hbm>>
      %dma_start3A_92 = arith.constant 0 : i32
      %dma_start3A_93 = tpu.memref_slice %arg5[%add3A, %dma_start3A_92] : memref<32x8192xi32, #tpu.memory_space<hbm>> -> memref<1x8192xi32, #tpu.memory_space<hbm>>
      %dma_start3A_94 = tpu.memref_squeeze %dma_start3A_93 : memref<1x8192xi32, #tpu.memory_space<hbm>> -> memref<8192xi32, #tpu.memory_space<hbm>>
      tpu.enqueue_dma source(%arg9 : memref<8192xi32, #tpu.memory_space<vmem>>) target(%dma_start3A_94 : memref<8192xi32, #tpu.memory_space<hbm>>) target_semaphore(%run_scoped3A_88 : memref<!tpu.dma_semaphore, #tpu.memory_space<semaphore_mem>>)
      %dma_wait3A_95 = arith.constant 0 : i32
      %dma_wait3A_96 = tpu.memref_slice %arg5[%add3A, %dma_wait3A_95] : memref<32x8192xi32, #tpu.memory_space<hbm>> -> memref<1x8192xi32, #tpu.memory_space<hbm>>
      %dma_wait3A_97 = tpu.memref_squeeze %dma_wait3A_96 : memref<1x8192xi32, #tpu.memory_space<hbm>> -> memref<8192xi32, #tpu.memory_space<hbm>>
      %dma_wait3A_98 = arith.constant 0 : i32
      %dma_wait3A_99 = tpu.memref_slice %arg5[%add3A, %dma_wait3A_98] : memref<32x8192xi32, #tpu.memory_space<hbm>> -> memref<1x8192xi32, #tpu.memory_space<hbm>>
      %dma_wait3A_100 = tpu.memref_squeeze %dma_wait3A_99 : memref<1x8192xi32, #tpu.memory_space<hbm>> -> memref<8192xi32, #tpu.memory_space<hbm>>
      tpu.wait_dma2 semaphore(%run_scoped3A_88 : memref<!tpu.dma_semaphore, #tpu.memory_space<semaphore_mem>>) src(%arg9 : memref<8192xi32, #tpu.memory_space<vmem>>) dst(%dma_wait3A_100 : memref<8192xi32, #tpu.memory_space<hbm>>)
      tpu.yield
    }) : () -> ()
    %add3A_15 = arith.constant 0 : i32
    %add3A_16 = arith.addi %mul3A_2, %add3A_15 : i32
    %run_scoped3A = arith.constant 0 : i32
    "tpu.region"() ({
      %run_scoped3A_88 = tpu.sem_alloc : memref<!tpu.dma_semaphore, #tpu.memory_space<semaphore_mem>>
      %dma_start3A_89 = arith.constant 0 : i32
      %dma_start3A_90 = tpu.memref_slice %arg7[%run_scoped3A, %dma_start3A_89] : memref<4x128xi32, #tpu.memory_space<vmem>> -> memref<1x128xi32, #tpu.memory_space<vmem>>
      %dma_start3A_91 = tpu.memref_squeeze %dma_start3A_90 : memref<1x128xi32, #tpu.memory_space<vmem>> -> memref<128xi32, #tpu.memory_space<vmem>>
      %dma_start3A_92 = tpu.memref_slice %arg3[%add3A_16] : memref<16384xi32, #tpu.memory_space<hbm>> -> memref<128xi32, #tpu.memory_space<hbm>>
      %dma_start3A_93 = arith.constant 0 : i32
      %dma_start3A_94 = tpu.memref_slice %arg7[%run_scoped3A, %dma_start3A_93] : memref<4x128xi32, #tpu.memory_space<vmem>> -> memref<1x128xi32, #tpu.memory_space<vmem>>
      %dma_start3A_95 = tpu.memref_squeeze %dma_start3A_94 : memref<1x128xi32, #tpu.memory_space<vmem>> -> memref<128xi32, #tpu.memory_space<vmem>>
      %dma_start3A_96 = tpu.memref_slice %arg3[%add3A_16] : memref<16384xi32, #tpu.memory_space<hbm>> -> memref<128xi32, #tpu.memory_space<hbm>>
      tpu.enqueue_dma source(%dma_start3A_96 : memref<128xi32, #tpu.memory_space<hbm>>) target(%dma_start3A_95 : memref<128xi32, #tpu.memory_space<vmem>>) target_semaphore(%run_scoped3A_88 : memref<!tpu.dma_semaphore, #tpu.memory_space<semaphore_mem>>)
      %dma_wait3A_97 = arith.constant 0 : i32
      %dma_wait3A_98 = tpu.memref_slice %arg7[%run_scoped3A, %dma_wait3A_97] : memref<4x128xi32, #tpu.memory_space<vmem>> -> memref<1x128xi32, #tpu.memory_space<vmem>>
      %dma_wait3A_99 = tpu.memref_squeeze %dma_wait3A_98 : memref<1x128xi32, #tpu.memory_space<vmem>> -> memref<128xi32, #tpu.memory_space<vmem>>
      %dma_wait3A_100 = tpu.memref_slice %arg3[%add3A_16] : memref<16384xi32, #tpu.memory_space<hbm>> -> memref<128xi32, #tpu.memory_space<hbm>>
      %dma_wait3A_101 = arith.constant 0 : i32
      %dma_wait3A_102 = tpu.memref_slice %arg7[%run_scoped3A, %dma_wait3A_101] : memref<4x128xi32, #tpu.memory_space<vmem>> -> memref<1x128xi32, #tpu.memory_space<vmem>>
      %dma_wait3A_103 = tpu.memref_squeeze %dma_wait3A_102 : memref<1x128xi32, #tpu.memory_space<vmem>> -> memref<128xi32, #tpu.memory_space<vmem>>
      %dma_wait3A_104 = tpu.memref_slice %arg3[%add3A_16] : memref<16384xi32, #tpu.memory_space<hbm>> -> memref<128xi32, #tpu.memory_space<hbm>>
      tpu.wait_dma2 semaphore(%run_scoped3A_88 : memref<!tpu.dma_semaphore, #tpu.memory_space<semaphore_mem>>) src(%dma_wait3A_104 : memref<128xi32, #tpu.memory_space<hbm>>) dst(%dma_wait3A_103 : memref<128xi32, #tpu.memory_space<vmem>>)
      tpu.yield
    }) : () -> ()
    %dma_start3A = arith.constant 0 : i32
    %dma_start3A_17 = arith.constant 0 : i32
    %dma_start3A_18 = tpu.memref_slice %arg7[%dma_start3A, %dma_start3A_17] : memref<4x128xi32, #tpu.memory_space<vmem>> -> memref<1x128xi32, #tpu.memory_space<vmem>>
    %dma_start3A_19 = tpu.memref_squeeze %dma_start3A_18 : memref<1x128xi32, #tpu.memory_space<vmem>> -> memref<128xi32, #tpu.memory_space<vmem>>
    %dma_start3A_20 = arith.constant 0 : i32
    %dma_start3A_21 = arith.constant 0 : i32
    %dma_start3A_22 = tpu.memref_slice %arg2[%dma_start3A_20, %dma_start3A_21] : memref<8192x256xf32, #tpu.memory_space<hbm>> -> memref<8192x256xf32, #tpu.memory_space<hbm>>
    tpu.enqueue_indirect_dma source(%dma_start3A_22 : memref<8192x256xf32, #tpu.memory_space<hbm>>) target(%arg8 : memref<128x256xf32, #tpu.memory_space<vmem>>) offsets(%dma_start3A_19 : memref<128xi32, #tpu.memory_space<vmem>>) semaphore(%arg10 : memref<!tpu.dma_semaphore, #tpu.memory_space<semaphore_mem>>)
    %dma_wait3A = arith.constant 0 : i32
    %dma_wait3A_23 = arith.constant 0 : i32
    %dma_wait3A_24 = tpu.memref_slice %arg7[%dma_wait3A, %dma_wait3A_23] : memref<4x128xi32, #tpu.memory_space<vmem>> -> memref<1x128xi32, #tpu.memory_space<vmem>>
    %dma_wait3A_25 = tpu.memref_squeeze %dma_wait3A_24 : memref<1x128xi32, #tpu.memory_space<vmem>> -> memref<128xi32, #tpu.memory_space<vmem>>
    %dma_wait3A_26 = arith.constant 0 : i32
    %dma_wait3A_27 = arith.constant 0 : i32
    %dma_wait3A_28 = tpu.memref_slice %arg2[%dma_wait3A_26, %dma_wait3A_27] : memref<8192x256xf32, #tpu.memory_space<hbm>> -> memref<8192x256xf32, #tpu.memory_space<hbm>>
    tpu.wait_indirect_dma semaphore(%arg10 : memref<!tpu.dma_semaphore, #tpu.memory_space<semaphore_mem>>) src(%dma_wait3A_28 : memref<8192x256xf32, #tpu.memory_space<hbm>>) dst(%arg8 : memref<128x256xf32, #tpu.memory_space<vmem>>)
    %add3A_29 = arith.constant 0 : i32
    %add3A_30 = arith.addi %mul3A_2, %add3A_29 : i32
    "tpu.region"() ({
      %run_scoped3A_88 = tpu.sem_alloc : memref<!tpu.dma_semaphore, #tpu.memory_space<semaphore_mem>>
      %dma_start3A_89 = arith.constant 0 : i32
      %dma_start3A_90 = tpu.memref_slice %arg4[%add3A_30, %dma_start3A_89] : memref<16384x256xf32, #tpu.memory_space<hbm>> -> memref<128x256xf32, #tpu.memory_space<hbm>>
      %dma_start3A_91 = arith.constant 0 : i32
      %dma_start3A_92 = tpu.memref_slice %arg4[%add3A_30, %dma_start3A_91] : memref<16384x256xf32, #tpu.memory_space<hbm>> -> memref<128x256xf32, #tpu.memory_space<hbm>>
      tpu.enqueue_dma source(%arg8 : memref<128x256xf32, #tpu.memory_space<vmem>>) target(%dma_start3A_92 : memref<128x256xf32, #tpu.memory_space<hbm>>) target_semaphore(%run_scoped3A_88 : memref<!tpu.dma_semaphore, #tpu.memory_space<semaphore_mem>>)
      %dma_wait3A_93 = arith.constant 0 : i32
      %dma_wait3A_94 = tpu.memref_slice %arg4[%add3A_30, %dma_wait3A_93] : memref<16384x256xf32, #tpu.memory_space<hbm>> -> memref<128x256xf32, #tpu.memory_space<hbm>>
      %dma_wait3A_95 = arith.constant 0 : i32
      %dma_wait3A_96 = tpu.memref_slice %arg4[%add3A_30, %dma_wait3A_95] : memref<16384x256xf32, #tpu.memory_space<hbm>> -> memref<128x256xf32, #tpu.memory_space<hbm>>
      tpu.wait_dma2 semaphore(%run_scoped3A_88 : memref<!tpu.dma_semaphore, #tpu.memory_space<semaphore_mem>>) src(%arg8 : memref<128x256xf32, #tpu.memory_space<vmem>>) dst(%dma_wait3A_96 : memref<128x256xf32, #tpu.memory_space<hbm>>)
      tpu.yield
    }) : () -> ()
    %add3A_31 = arith.constant 128 : i32
    %add3A_32 = arith.addi %mul3A_2, %add3A_31 : i32
    %run_scoped3A_33 = arith.constant 1 : i32
    "tpu.region"() ({
      %run_scoped3A_88 = tpu.sem_alloc : memref<!tpu.dma_semaphore, #tpu.memory_space<semaphore_mem>>
      %dma_start3A_89 = arith.constant 0 : i32
      %dma_start3A_90 = tpu.memref_slice %arg7[%run_scoped3A_33, %dma_start3A_89] : memref<4x128xi32, #tpu.memory_space<vmem>> -> memref<1x128xi32, #tpu.memory_space<vmem>>
      %dma_start3A_91 = tpu.memref_squeeze %dma_start3A_90 : memref<1x128xi32, #tpu.memory_space<vmem>> -> memref<128xi32, #tpu.memory_space<vmem>>
      %dma_start3A_92 = tpu.memref_slice %arg3[%add3A_32] : memref<16384xi32, #tpu.memory_space<hbm>> -> memref<128xi32, #tpu.memory_space<hbm>>
      %dma_start3A_93 = arith.constant 0 : i32
      %dma_start3A_94 = tpu.memref_slice %arg7[%run_scoped3A_33, %dma_start3A_93] : memref<4x128xi32, #tpu.memory_space<vmem>> -> memref<1x128xi32, #tpu.memory_space<vmem>>
      %dma_start3A_95 = tpu.memref_squeeze %dma_start3A_94 : memref<1x128xi32, #tpu.memory_space<vmem>> -> memref<128xi32, #tpu.memory_space<vmem>>
      %dma_start3A_96 = tpu.memref_slice %arg3[%add3A_32] : memref<16384xi32, #tpu.memory_space<hbm>> -> memref<128xi32, #tpu.memory_space<hbm>>
      tpu.enqueue_dma source(%dma_start3A_96 : memref<128xi32, #tpu.memory_space<hbm>>) target(%dma_start3A_95 : memref<128xi32, #tpu.memory_space<vmem>>) target_semaphore(%run_scoped3A_88 : memref<!tpu.dma_semaphore, #tpu.memory_space<semaphore_mem>>)
      %dma_wait3A_97 = arith.constant 0 : i32
      %dma_wait3A_98 = tpu.memref_slice %arg7[%run_scoped3A_33, %dma_wait3A_97] : memref<4x128xi32, #tpu.memory_space<vmem>> -> memref<1x128xi32, #tpu.memory_space<vmem>>
      %dma_wait3A_99 = tpu.memref_squeeze %dma_wait3A_98 : memref<1x128xi32, #tpu.memory_space<vmem>> -> memref<128xi32, #tpu.memory_space<vmem>>
      %dma_wait3A_100 = tpu.memref_slice %arg3[%add3A_32] : memref<16384xi32, #tpu.memory_space<hbm>> -> memref<128xi32, #tpu.memory_space<hbm>>
      %dma_wait3A_101 = arith.constant 0 : i32
      %dma_wait3A_102 = tpu.memref_slice %arg7[%run_scoped3A_33, %dma_wait3A_101] : memref<4x128xi32, #tpu.memory_space<vmem>> -> memref<1x128xi32, #tpu.memory_space<vmem>>
      %dma_wait3A_103 = tpu.memref_squeeze %dma_wait3A_102 : memref<1x128xi32, #tpu.memory_space<vmem>> -> memref<128xi32, #tpu.memory_space<vmem>>
      %dma_wait3A_104 = tpu.memref_slice %arg3[%add3A_32] : memref<16384xi32, #tpu.memory_space<hbm>> -> memref<128xi32, #tpu.memory_space<hbm>>
      tpu.wait_dma2 semaphore(%run_scoped3A_88 : memref<!tpu.dma_semaphore, #tpu.memory_space<semaphore_mem>>) src(%dma_wait3A_104 : memref<128xi32, #tpu.memory_space<hbm>>) dst(%dma_wait3A_103 : memref<128xi32, #tpu.memory_space<vmem>>)
      tpu.yield
    }) : () -> ()
    %dma_start3A_34 = arith.constant 1 : i32
    %dma_start3A_35 = arith.constant 0 : i32
    %dma_start3A_36 = tpu.memref_slice %arg7[%dma_start3A_34, %dma_start3A_35] : memref<4x128xi32, #tpu.memory_space<vmem>> -> memref<1x128xi32, #tpu.memory_space<vmem>>
    %dma_start3A_37 = tpu.memref_squeeze %dma_start3A_36 : memref<1x128xi32, #tpu.memory_space<vmem>> -> memref<128xi32, #tpu.memory_space<vmem>>
    %dma_start3A_38 = arith.constant 0 : i32
    %dma_start3A_39 = arith.constant 0 : i32
    %dma_start3A_40 = tpu.memref_slice %arg2[%dma_start3A_38, %dma_start3A_39] : memref<8192x256xf32, #tpu.memory_space<hbm>> -> memref<8192x256xf32, #tpu.memory_space<hbm>>
    tpu.enqueue_indirect_dma source(%dma_start3A_40 : memref<8192x256xf32, #tpu.memory_space<hbm>>) target(%arg8 : memref<128x256xf32, #tpu.memory_space<vmem>>) offsets(%dma_start3A_37 : memref<128xi32, #tpu.memory_space<vmem>>) semaphore(%arg10 : memref<!tpu.dma_semaphore, #tpu.memory_space<semaphore_mem>>)
    %dma_wait3A_41 = arith.constant 1 : i32
    %dma_wait3A_42 = arith.constant 0 : i32
    %dma_wait3A_43 = tpu.memref_slice %arg7[%dma_wait3A_41, %dma_wait3A_42] : memref<4x128xi32, #tpu.memory_space<vmem>> -> memref<1x128xi32, #tpu.memory_space<vmem>>
    %dma_wait3A_44 = tpu.memref_squeeze %dma_wait3A_43 : memref<1x128xi32, #tpu.memory_space<vmem>> -> memref<128xi32, #tpu.memory_space<vmem>>
    %dma_wait3A_45 = arith.constant 0 : i32
    %dma_wait3A_46 = arith.constant 0 : i32
    %dma_wait3A_47 = tpu.memref_slice %arg2[%dma_wait3A_45, %dma_wait3A_46] : memref<8192x256xf32, #tpu.memory_space<hbm>> -> memref<8192x256xf32, #tpu.memory_space<hbm>>
    tpu.wait_indirect_dma semaphore(%arg10 : memref<!tpu.dma_semaphore, #tpu.memory_space<semaphore_mem>>) src(%dma_wait3A_47 : memref<8192x256xf32, #tpu.memory_space<hbm>>) dst(%arg8 : memref<128x256xf32, #tpu.memory_space<vmem>>)
    %add3A_48 = arith.constant 128 : i32
    %add3A_49 = arith.addi %mul3A_2, %add3A_48 : i32
    "tpu.region"() ({
      %run_scoped3A_88 = tpu.sem_alloc : memref<!tpu.dma_semaphore, #tpu.memory_space<semaphore_mem>>
      %dma_start3A_89 = arith.constant 0 : i32
      %dma_start3A_90 = tpu.memref_slice %arg4[%add3A_49, %dma_start3A_89] : memref<16384x256xf32, #tpu.memory_space<hbm>> -> memref<128x256xf32, #tpu.memory_space<hbm>>
      %dma_start3A_91 = arith.constant 0 : i32
      %dma_start3A_92 = tpu.memref_slice %arg4[%add3A_49, %dma_start3A_91] : memref<16384x256xf32, #tpu.memory_space<hbm>> -> memref<128x256xf32, #tpu.memory_space<hbm>>
      tpu.enqueue_dma source(%arg8 : memref<128x256xf32, #tpu.memory_space<vmem>>) target(%dma_start3A_92 : memref<128x256xf32, #tpu.memory_space<hbm>>) target_semaphore(%run_scoped3A_88 : memref<!tpu.dma_semaphore, #tpu.memory_space<semaphore_mem>>)
      %dma_wait3A_93 = arith.constant 0 : i32
      %dma_wait3A_94 = tpu.memref_slice %arg4[%add3A_49, %dma_wait3A_93] : memref<16384x256xf32, #tpu.memory_space<hbm>> -> memref<128x256xf32, #tpu.memory_space<hbm>>
      %dma_wait3A_95 = arith.constant 0 : i32
      %dma_wait3A_96 = tpu.memref_slice %arg4[%add3A_49, %dma_wait3A_95] : memref<16384x256xf32, #tpu.memory_space<hbm>> -> memref<128x256xf32, #tpu.memory_space<hbm>>
      tpu.wait_dma2 semaphore(%run_scoped3A_88 : memref<!tpu.dma_semaphore, #tpu.memory_space<semaphore_mem>>) src(%arg8 : memref<128x256xf32, #tpu.memory_space<vmem>>) dst(%dma_wait3A_96 : memref<128x256xf32, #tpu.memory_space<hbm>>)
      tpu.yield
    }) : () -> ()
    %add3A_50 = arith.constant 256 : i32
    %add3A_51 = arith.addi %mul3A_2, %add3A_50 : i32
    %run_scoped3A_52 = arith.constant 2 : i32
    "tpu.region"() ({
      %run_scoped3A_88 = tpu.sem_alloc : memref<!tpu.dma_semaphore, #tpu.memory_space<semaphore_mem>>
      %dma_start3A_89 = arith.constant 0 : i32
      %dma_start3A_90 = tpu.memref_slice %arg7[%run_scoped3A_52, %dma_start3A_89] : memref<4x128xi32, #tpu.memory_space<vmem>> -> memref<1x128xi32, #tpu.memory_space<vmem>>
      %dma_start3A_91 = tpu.memref_squeeze %dma_start3A_90 : memref<1x128xi32, #tpu.memory_space<vmem>> -> memref<128xi32, #tpu.memory_space<vmem>>
      %dma_start3A_92 = tpu.memref_slice %arg3[%add3A_51] : memref<16384xi32, #tpu.memory_space<hbm>> -> memref<128xi32, #tpu.memory_space<hbm>>
      %dma_start3A_93 = arith.constant 0 : i32
      %dma_start3A_94 = tpu.memref_slice %arg7[%run_scoped3A_52, %dma_start3A_93] : memref<4x128xi32, #tpu.memory_space<vmem>> -> memref<1x128xi32, #tpu.memory_space<vmem>>
      %dma_start3A_95 = tpu.memref_squeeze %dma_start3A_94 : memref<1x128xi32, #tpu.memory_space<vmem>> -> memref<128xi32, #tpu.memory_space<vmem>>
      %dma_start3A_96 = tpu.memref_slice %arg3[%add3A_51] : memref<16384xi32, #tpu.memory_space<hbm>> -> memref<128xi32, #tpu.memory_space<hbm>>
      tpu.enqueue_dma source(%dma_start3A_96 : memref<128xi32, #tpu.memory_space<hbm>>) target(%dma_start3A_95 : memref<128xi32, #tpu.memory_space<vmem>>) target_semaphore(%run_scoped3A_88 : memref<!tpu.dma_semaphore, #tpu.memory_space<semaphore_mem>>)
      %dma_wait3A_97 = arith.constant 0 : i32
      %dma_wait3A_98 = tpu.memref_slice %arg7[%run_scoped3A_52, %dma_wait3A_97] : memref<4x128xi32, #tpu.memory_space<vmem>> -> memref<1x128xi32, #tpu.memory_space<vmem>>
      %dma_wait3A_99 = tpu.memref_squeeze %dma_wait3A_98 : memref<1x128xi32, #tpu.memory_space<vmem>> -> memref<128xi32, #tpu.memory_space<vmem>>
      %dma_wait3A_100 = tpu.memref_slice %arg3[%add3A_51] : memref<16384xi32, #tpu.memory_space<hbm>> -> memref<128xi32, #tpu.memory_space<hbm>>
      %dma_wait3A_101 = arith.constant 0 : i32
      %dma_wait3A_102 = tpu.memref_slice %arg7[%run_scoped3A_52, %dma_wait3A_101] : memref<4x128xi32, #tpu.memory_space<vmem>> -> memref<1x128xi32, #tpu.memory_space<vmem>>
      %dma_wait3A_103 = tpu.memref_squeeze %dma_wait3A_102 : memref<1x128xi32, #tpu.memory_space<vmem>> -> memref<128xi32, #tpu.memory_space<vmem>>
      %dma_wait3A_104 = tpu.memref_slice %arg3[%add3A_51] : memref<16384xi32, #tpu.memory_space<hbm>> -> memref<128xi32, #tpu.memory_space<hbm>>
      tpu.wait_dma2 semaphore(%run_scoped3A_88 : memref<!tpu.dma_semaphore, #tpu.memory_space<semaphore_mem>>) src(%dma_wait3A_104 : memref<128xi32, #tpu.memory_space<hbm>>) dst(%dma_wait3A_103 : memref<128xi32, #tpu.memory_space<vmem>>)
      tpu.yield
    }) : () -> ()
    %dma_start3A_53 = arith.constant 2 : i32
    %dma_start3A_54 = arith.constant 0 : i32
    %dma_start3A_55 = tpu.memref_slice %arg7[%dma_start3A_53, %dma_start3A_54] : memref<4x128xi32, #tpu.memory_space<vmem>> -> memref<1x128xi32, #tpu.memory_space<vmem>>
    %dma_start3A_56 = tpu.memref_squeeze %dma_start3A_55 : memref<1x128xi32, #tpu.memory_space<vmem>> -> memref<128xi32, #tpu.memory_space<vmem>>
    %dma_start3A_57 = arith.constant 0 : i32
    %dma_start3A_58 = arith.constant 0 : i32
    %dma_start3A_59 = tpu.memref_slice %arg2[%dma_start3A_57, %dma_start3A_58] : memref<8192x256xf32, #tpu.memory_space<hbm>> -> memref<8192x256xf32, #tpu.memory_space<hbm>>
    tpu.enqueue_indirect_dma source(%dma_start3A_59 : memref<8192x256xf32, #tpu.memory_space<hbm>>) target(%arg8 : memref<128x256xf32, #tpu.memory_space<vmem>>) offsets(%dma_start3A_56 : memref<128xi32, #tpu.memory_space<vmem>>) semaphore(%arg10 : memref<!tpu.dma_semaphore, #tpu.memory_space<semaphore_mem>>)
    %dma_wait3A_60 = arith.constant 2 : i32
    %dma_wait3A_61 = arith.constant 0 : i32
    %dma_wait3A_62 = tpu.memref_slice %arg7[%dma_wait3A_60, %dma_wait3A_61] : memref<4x128xi32, #tpu.memory_space<vmem>> -> memref<1x128xi32, #tpu.memory_space<vmem>>
    %dma_wait3A_63 = tpu.memref_squeeze %dma_wait3A_62 : memref<1x128xi32, #tpu.memory_space<vmem>> -> memref<128xi32, #tpu.memory_space<vmem>>
    %dma_wait3A_64 = arith.constant 0 : i32
    %dma_wait3A_65 = arith.constant 0 : i32
    %dma_wait3A_66 = tpu.memref_slice %arg2[%dma_wait3A_64, %dma_wait3A_65] : memref<8192x256xf32, #tpu.memory_space<hbm>> -> memref<8192x256xf32, #tpu.memory_space<hbm>>
    tpu.wait_indirect_dma semaphore(%arg10 : memref<!tpu.dma_semaphore, #tpu.memory_space<semaphore_mem>>) src(%dma_wait3A_66 : memref<8192x256xf32, #tpu.memory_space<hbm>>) dst(%arg8 : memref<128x256xf32, #tpu.memory_space<vmem>>)
    %add3A_67 = arith.constant 256 : i32
    %add3A_68 = arith.addi %mul3A_2, %add3A_67 : i32
    "tpu.region"() ({
      %run_scoped3A_88 = tpu.sem_alloc : memref<!tpu.dma_semaphore, #tpu.memory_space<semaphore_mem>>
      %dma_start3A_89 = arith.constant 0 : i32
      %dma_start3A_90 = tpu.memref_slice %arg4[%add3A_68, %dma_start3A_89] : memref<16384x256xf32, #tpu.memory_space<hbm>> -> memref<128x256xf32, #tpu.memory_space<hbm>>
      %dma_start3A_91 = arith.constant 0 : i32
      %dma_start3A_92 = tpu.memref_slice %arg4[%add3A_68, %dma_start3A_91] : memref<16384x256xf32, #tpu.memory_space<hbm>> -> memref<128x256xf32, #tpu.memory_space<hbm>>
      tpu.enqueue_dma source(%arg8 : memref<128x256xf32, #tpu.memory_space<vmem>>) target(%dma_start3A_92 : memref<128x256xf32, #tpu.memory_space<hbm>>) target_semaphore(%run_scoped3A_88 : memref<!tpu.dma_semaphore, #tpu.memory_space<semaphore_mem>>)
      %dma_wait3A_93 = arith.constant 0 : i32
      %dma_wait3A_94 = tpu.memref_slice %arg4[%add3A_68, %dma_wait3A_93] : memref<16384x256xf32, #tpu.memory_space<hbm>> -> memref<128x256xf32, #tpu.memory_space<hbm>>
      %dma_wait3A_95 = arith.constant 0 : i32
      %dma_wait3A_96 = tpu.memref_slice %arg4[%add3A_68, %dma_wait3A_95] : memref<16384x256xf32, #tpu.memory_space<hbm>> -> memref<128x256xf32, #tpu.memory_space<hbm>>
      tpu.wait_dma2 semaphore(%run_scoped3A_88 : memref<!tpu.dma_semaphore, #tpu.memory_space<semaphore_mem>>) src(%arg8 : memref<128x256xf32, #tpu.memory_space<vmem>>) dst(%dma_wait3A_96 : memref<128x256xf32, #tpu.memory_space<hbm>>)
      tpu.yield
    }) : () -> ()
    %add3A_69 = arith.constant 384 : i32
    %add3A_70 = arith.addi %mul3A_2, %add3A_69 : i32
    %run_scoped3A_71 = arith.constant 3 : i32
    "tpu.region"() ({
      %run_scoped3A_88 = tpu.sem_alloc : memref<!tpu.dma_semaphore, #tpu.memory_space<semaphore_mem>>
      %dma_start3A_89 = arith.constant 0 : i32
      %dma_start3A_90 = tpu.memref_slice %arg7[%run_scoped3A_71, %dma_start3A_89] : memref<4x128xi32, #tpu.memory_space<vmem>> -> memref<1x128xi32, #tpu.memory_space<vmem>>
      %dma_start3A_91 = tpu.memref_squeeze %dma_start3A_90 : memref<1x128xi32, #tpu.memory_space<vmem>> -> memref<128xi32, #tpu.memory_space<vmem>>
      %dma_start3A_92 = tpu.memref_slice %arg3[%add3A_70] : memref<16384xi32, #tpu.memory_space<hbm>> -> memref<128xi32, #tpu.memory_space<hbm>>
      %dma_start3A_93 = arith.constant 0 : i32
      %dma_start3A_94 = tpu.memref_slice %arg7[%run_scoped3A_71, %dma_start3A_93] : memref<4x128xi32, #tpu.memory_space<vmem>> -> memref<1x128xi32, #tpu.memory_space<vmem>>
      %dma_start3A_95 = tpu.memref_squeeze %dma_start3A_94 : memref<1x128xi32, #tpu.memory_space<vmem>> -> memref<128xi32, #tpu.memory_space<vmem>>
      %dma_start3A_96 = tpu.memref_slice %arg3[%add3A_70] : memref<16384xi32, #tpu.memory_space<hbm>> -> memref<128xi32, #tpu.memory_space<hbm>>
      tpu.enqueue_dma source(%dma_start3A_96 : memref<128xi32, #tpu.memory_space<hbm>>) target(%dma_start3A_95 : memref<128xi32, #tpu.memory_space<vmem>>) target_semaphore(%run_scoped3A_88 : memref<!tpu.dma_semaphore, #tpu.memory_space<semaphore_mem>>)
      %dma_wait3A_97 = arith.constant 0 : i32
      %dma_wait3A_98 = tpu.memref_slice %arg7[%run_scoped3A_71, %dma_wait3A_97] : memref<4x128xi32, #tpu.memory_space<vmem>> -> memref<1x128xi32, #tpu.memory_space<vmem>>
      %dma_wait3A_99 = tpu.memref_squeeze %dma_wait3A_98 : memref<1x128xi32, #tpu.memory_space<vmem>> -> memref<128xi32, #tpu.memory_space<vmem>>
      %dma_wait3A_100 = tpu.memref_slice %arg3[%add3A_70] : memref<16384xi32, #tpu.memory_space<hbm>> -> memref<128xi32, #tpu.memory_space<hbm>>
      %dma_wait3A_101 = arith.constant 0 : i32
      %dma_wait3A_102 = tpu.memref_slice %arg7[%run_scoped3A_71, %dma_wait3A_101] : memref<4x128xi32, #tpu.memory_space<vmem>> -> memref<1x128xi32, #tpu.memory_space<vmem>>
      %dma_wait3A_103 = tpu.memref_squeeze %dma_wait3A_102 : memref<1x128xi32, #tpu.memory_space<vmem>> -> memref<128xi32, #tpu.memory_space<vmem>>
      %dma_wait3A_104 = tpu.memref_slice %arg3[%add3A_70] : memref<16384xi32, #tpu.memory_space<hbm>> -> memref<128xi32, #tpu.memory_space<hbm>>
      tpu.wait_dma2 semaphore(%run_scoped3A_88 : memref<!tpu.dma_semaphore, #tpu.memory_space<semaphore_mem>>) src(%dma_wait3A_104 : memref<128xi32, #tpu.memory_space<hbm>>) dst(%dma_wait3A_103 : memref<128xi32, #tpu.memory_space<vmem>>)
      tpu.yield
    }) : () -> ()
    %dma_start3A_72 = arith.constant 3 : i32
    %dma_start3A_73 = arith.constant 0 : i32
    %dma_start3A_74 = tpu.memref_slice %arg7[%dma_start3A_72, %dma_start3A_73] : memref<4x128xi32, #tpu.memory_space<vmem>> -> memref<1x128xi32, #tpu.memory_space<vmem>>
    %dma_start3A_75 = tpu.memref_squeeze %dma_start3A_74 : memref<1x128xi32, #tpu.memory_space<vmem>> -> memref<128xi32, #tpu.memory_space<vmem>>
    %dma_start3A_76 = arith.constant 0 : i32
    %dma_start3A_77 = arith.constant 0 : i32
    %dma_start3A_78 = tpu.memref_slice %arg2[%dma_start3A_76, %dma_start3A_77] : memref<8192x256xf32, #tpu.memory_space<hbm>> -> memref<8192x256xf32, #tpu.memory_space<hbm>>
    tpu.enqueue_indirect_dma source(%dma_start3A_78 : memref<8192x256xf32, #tpu.memory_space<hbm>>) target(%arg8 : memref<128x256xf32, #tpu.memory_space<vmem>>) offsets(%dma_start3A_75 : memref<128xi32, #tpu.memory_space<vmem>>) semaphore(%arg10 : memref<!tpu.dma_semaphore, #tpu.memory_space<semaphore_mem>>)
    %dma_wait3A_79 = arith.constant 3 : i32
    %dma_wait3A_80 = arith.constant 0 : i32
    %dma_wait3A_81 = tpu.memref_slice %arg7[%dma_wait3A_79, %dma_wait3A_80] : memref<4x128xi32, #tpu.memory_space<vmem>> -> memref<1x128xi32, #tpu.memory_space<vmem>>
    %dma_wait3A_82 = tpu.memref_squeeze %dma_wait3A_81 : memref<1x128xi32, #tpu.memory_space<vmem>> -> memref<128xi32, #tpu.memory_space<vmem>>
    %dma_wait3A_83 = arith.constant 0 : i32
    %dma_wait3A_84 = arith.constant 0 : i32
    %dma_wait3A_85 = tpu.memref_slice %arg2[%dma_wait3A_83, %dma_wait3A_84] : memref<8192x256xf32, #tpu.memory_space<hbm>> -> memref<8192x256xf32, #tpu.memory_space<hbm>>
    tpu.wait_indirect_dma semaphore(%arg10 : memref<!tpu.dma_semaphore, #tpu.memory_space<semaphore_mem>>) src(%dma_wait3A_85 : memref<8192x256xf32, #tpu.memory_space<hbm>>) dst(%arg8 : memref<128x256xf32, #tpu.memory_space<vmem>>)
    %add3A_86 = arith.constant 384 : i32
    %add3A_87 = arith.addi %mul3A_2, %add3A_86 : i32
    "tpu.region"() ({
      %run_scoped3A_88 = tpu.sem_alloc : memref<!tpu.dma_semaphore, #tpu.memory_space<semaphore_mem>>
      %dma_start3A_89 = arith.constant 0 : i32
      %dma_start3A_90 = tpu.memref_slice %arg4[%add3A_87, %dma_start3A_89] : memref<16384x256xf32, #tpu.memory_space<hbm>> -> memref<128x256xf32, #tpu.memory_space<hbm>>
      %dma_start3A_91 = arith.constant 0 : i32
      %dma_start3A_92 = tpu.memref_slice %arg4[%add3A_87, %dma_start3A_91] : memref<16384x256xf32, #tpu.memory_space<hbm>> -> memref<128x256xf32, #tpu.memory_space<hbm>>
      tpu.enqueue_dma source(%arg8 : memref<128x256xf32, #tpu.memory_space<vmem>>) target(%dma_start3A_92 : memref<128x256xf32, #tpu.memory_space<hbm>>) target_semaphore(%run_scoped3A_88 : memref<!tpu.dma_semaphore, #tpu.memory_space<semaphore_mem>>)
      %dma_wait3A_93 = arith.constant 0 : i32
      %dma_wait3A_94 = tpu.memref_slice %arg4[%add3A_87, %dma_wait3A_93] : memref<16384x256xf32, #tpu.memory_space<hbm>> -> memref<128x256xf32, #tpu.memory_space<hbm>>
      %dma_wait3A_95 = arith.constant 0 : i32
      %dma_wait3A_96 = tpu.memref_slice %arg4[%add3A_87, %dma_wait3A_95] : memref<16384x256xf32, #tpu.memory_space<hbm>> -> memref<128x256xf32, #tpu.memory_space<hbm>>
      tpu.wait_dma2 semaphore(%run_scoped3A_88 : memref<!tpu.dma_semaphore, #tpu.memory_space<semaphore_mem>>) src(%arg8 : memref<128x256xf32, #tpu.memory_space<vmem>>) dst(%dma_wait3A_96 : memref<128x256xf32, #tpu.memory_space<hbm>>)
      tpu.yield
    }) : () -> ()
    return
  }
}

module attributes {stable_mosaic.version = 14 : i64} {
  func.func @_fin_body(%arg0: memref<1x1xf32, #tpu.memory_space<vmem>>, %arg1: memref<32x8192xi32, #tpu.memory_space<vmem>>, %arg2: memref<1x1xf32, #tpu.memory_space<vmem>>, %arg3: memref<1x1xf32, #tpu.memory_space<vmem>>) attributes {dimension_semantics = [], scalar_prefetch = 0 : i64, scratch_operands = 0 : i64, tpu.core_type = #tpu.core_type<tc>} {
    %get3A = arith.constant 0 : index
    %get3A_0 = arith.constant 0 : index
    %get3A_1 = vector.load %arg1[%get3A, %get3A_0] : memref<32x8192xi32, #tpu.memory_space<vmem>>, vector<32x8192xi32>
    %convert_element_type3A = arith.sitofp %get3A_1 : vector<32x8192xi32> to vector<32x8192xf32>
    %reduce_sum3A = arith.constant dense<0.000000e+00> : vector<8192xf32>
    %reduce_sum3A_2 = vector.multi_reduction <add>, %convert_element_type3A, %reduce_sum3A [0] : vector<32x8192xf32> to vector<8192xf32>
    %broadcast_in_dim3A = vector.shape_cast %reduce_sum3A_2 : vector<8192xf32> to vector<1x8192xf32>
    %mul3A = arith.constant 6.10351563E-5 : f32
    %mul3A_3 = vector.broadcast %mul3A : f32 to vector<1x8192xf32>
    %mul3A_4 = arith.mulf %broadcast_in_dim3A, %mul3A_3 : vector<1x8192xf32>
    %add3A = arith.constant 1.000000e-10 : f32
    %add3A_5 = vector.broadcast %add3A : f32 to vector<1x8192xf32>
    %add3A_6 = arith.addf %mul3A_4, %add3A_5 : vector<1x8192xf32>
    %log3A = math.log %add3A_6 : vector<1x8192xf32>
    %mul3A_7 = arith.mulf %mul3A_4, %log3A : vector<1x8192xf32>
    %reduce_sum3A_8 = vector.shape_cast %mul3A_7 : vector<1x8192xf32> to vector<1x1x8192xf32>
    %reduce_sum3A_9 = arith.constant dense<0.000000e+00> : vector<1xf32>
    %reduce_sum3A_10 = vector.multi_reduction <add>, %reduce_sum3A_8, %reduce_sum3A_9 [1, 2] : vector<1x1x8192xf32> to vector<1xf32>
    %reduce_sum3A_11 = vector.shape_cast %reduce_sum3A_10 : vector<1xf32> to vector<1x1x1xf32>
    %reduce_sum3A_12 = vector.extract %reduce_sum3A_11[0, 0, 0] : f32 from vector<1x1x1xf32>
    %get3A_13 = arith.constant 0 : index
    %get3A_14 = arith.constant 0 : index
    %get3A_15 = vector.load %arg0[%get3A_13, %get3A_14] : memref<1x1xf32, #tpu.memory_space<vmem>>, vector<1x1xf32>
    %mul3A_16 = arith.constant 2.98023224E-7 : f32
    %mul3A_17 = vector.broadcast %mul3A_16 : f32 to vector<1x1xf32>
    %mul3A_18 = arith.mulf %get3A_15, %mul3A_17 : vector<1x1xf32>
    %swap3A = arith.constant 0 : index
    %swap3A_19 = arith.constant 0 : index
    %swap3A_20 = vector.load %arg2[%swap3A, %swap3A_19] : memref<1x1xf32, #tpu.memory_space<vmem>>, vector<1x1xf32>
    tpu.vector_store %arg2[%swap3A, %swap3A_19], %mul3A_18 {strides = array<i32>} : memref<1x1xf32, #tpu.memory_space<vmem>>, vector<1x1xf32>,
    %neg3A = arith.constant 0.000000e+00 : f32
    %neg3A_21 = arith.subf %neg3A, %reduce_sum3A_12 : f32
    %exp3A = math.exp %neg3A_21 : f32
    %reshape3A = vector.broadcast %exp3A : f32 to vector<1x1xf32>
    %swap3A_22 = arith.constant 0 : index
    %swap3A_23 = arith.constant 0 : index
    %swap3A_24 = vector.load %arg3[%swap3A_22, %swap3A_23] : memref<1x1xf32, #tpu.memory_space<vmem>>, vector<1x1xf32>
    tpu.vector_store %arg3[%swap3A_22, %swap3A_23], %reshape3A {strides = array<i32>} : memref<1x1xf32, #tpu.memory_space<vmem>>, vector<1x1xf32>,
    return
  }
}

module attributes {stable_mosaic.version = 14 : i64} {
  func.func @_argmin_body(%arg0: i32, %arg1: i32, %arg2: memref<1024x256xf32, #tpu.memory_space<vmem>>, %arg3: memref<1024x256xf32, #tpu.memory_space<vmem>>, %arg4: memref<1024x1xi32, #tpu.memory_space<vmem>>, %arg5: memref<1x1xf32, #tpu.memory_space<vmem>>, %arg6: memref<1024x1xf32, #tpu.memory_space<vmem>>, %arg7: memref<1024x1xi32, #tpu.memory_space<vmem>>) attributes {dimension_semantics = [#tpu.dimension_semantics<arbitrary>, #tpu.dimension_semantics<arbitrary>], iteration_bounds = array<i64: 16, 8>, scalar_prefetch = 0 : i64, scratch_operands = 2 : i64, tpu.core_type = #tpu.core_type<tc>, window_params = [{transform_indices = @transform_0, window_bounds = array<i64: 1024, 256>}, {transform_indices = @transform_1, window_bounds = array<i64: 1024, 256>}, {transform_indices = @transform_2, window_bounds = array<i64: 1024, 1>}, {pipeline_mode = #tpu.pipeline_mode<synchronous>, transform_indices = @transform_3, window_bounds = array<i64: 1, 1>}]} {
    %get3A = arith.constant 0 : index
    %get3A_0 = arith.constant 0 : index
    %get3A_1 = vector.load %arg2[%get3A, %get3A_0] : memref<1024x256xf32, #tpu.memory_space<vmem>>, vector<1024x256xf32>
    %get3A_2 = arith.constant 0 : index
    %get3A_3 = arith.constant 0 : index
    %get3A_4 = vector.load %arg3[%get3A_2, %get3A_3] : memref<1024x256xf32, #tpu.memory_space<vmem>>, vector<1024x256xf32>
    %dot_general3A = arith.constant dense<0.000000e+00> : vector<1024x1024xf32>
    %dot_general3A_5 = tpu.matmul %get3A_1, %get3A_4, %dot_general3A {dimension_numbers = #tpu.dot_dimension_numbers<[1], [1], [0], [0], [0, 0, 1, 0], [], []>, transpose_lhs_hint = false} : vector<1024x256xf32>, vector<1024x256xf32>, vector<1024x1024xf32> -> vector<1024x1024xf32>
    %mul3A = arith.mulf %get3A_1, %get3A_1 : vector<1024x256xf32>
    %reduce_sum3A = arith.constant dense<0.000000e+00> : vector<1024xf32>
    %reduce_sum3A_6 = vector.multi_reduction <add>, %mul3A, %reduce_sum3A [1] : vector<1024x256xf32> to vector<1024xf32>
    %broadcast_in_dim3A = vector.shape_cast %reduce_sum3A_6 : vector<1024xf32> to vector<1024x1xf32>
    %mul3A_7 = arith.mulf %get3A_4, %get3A_4 : vector<1024x256xf32>
    %reduce_sum3A_8 = arith.constant dense<0.000000e+00> : vector<1024xf32>
    %reduce_sum3A_9 = vector.multi_reduction <add>, %mul3A_7, %reduce_sum3A_8 [1] : vector<1024x256xf32> to vector<1024xf32>
    %broadcast_in_dim3A_10 = vector.shape_cast %reduce_sum3A_9 : vector<1024xf32> to vector<1x1024xf32>
    %add3A = vector.broadcast %broadcast_in_dim3A : vector<1024x1xf32> to vector<1024x1024xf32>
    %add3A_11 = vector.broadcast %broadcast_in_dim3A_10 : vector<1x1024xf32> to vector<1024x1024xf32>
    %add3A_12 = arith.addf %add3A, %add3A_11 : vector<1024x1024xf32>
    %mul3A_13 = arith.constant 2.000000e+00 : f32
    %mul3A_14 = vector.broadcast %mul3A_13 : f32 to vector<1024x1024xf32>
    %mul3A_15 = arith.mulf %mul3A_14, %dot_general3A_5 : vector<1024x1024xf32>
    %sub3A = arith.subf %add3A_12, %mul3A_15 : vector<1024x1024xf32>
    %reduce_min3A = arith.constant dense<0x7F800000> : vector<1024xf32>
    %reduce_min3A_16 = vector.multi_reduction <minimumf>, %sub3A, %reduce_min3A [1] : vector<1024x1024xf32> to vector<1024xf32>
    %broadcast_in_dim3A_17 = vector.shape_cast %reduce_min3A_16 : vector<1024xf32> to vector<1024x1xf32>
    %iota3A = tpu.iota {dimensions = array<i32: 1>} : vector<1024x1024xi32>
    %eq3A = vector.broadcast %broadcast_in_dim3A_17 : vector<1024x1xf32> to vector<1024x1024xf32>
    %eq3A_18 = arith.cmpf oeq, %sub3A, %eq3A : vector<1024x1024xf32>
    %jit3A = arith.constant 8192 : i32
    %broadcast_in_dim3A_19 = vector.broadcast %jit3A : i32 to vector<1024x1024xi32>
    %select_n3A = arith.select %eq3A_18, %iota3A, %broadcast_in_dim3A_19 : vector<1024x1024xi1>, vector<1024x1024xi32>
    %reduce_min3A_20 = arith.constant dense<2147483647> : vector<1024xi32>
    %reduce_min3A_21 = vector.multi_reduction <minsi>, %select_n3A, %reduce_min3A_20 [1] : vector<1024x1024xi32> to vector<1024xi32>
    %broadcast_in_dim3A_22 = vector.shape_cast %reduce_min3A_21 : vector<1024xi32> to vector<1024x1xi32>
    %mul3A_23 = arith.constant 1024 : i32
    %mul3A_24 = arith.muli %arg1, %mul3A_23 : i32
    %add3A_25 = vector.broadcast %mul3A_24 : i32 to vector<1024x1xi32>
    %add3A_26 = arith.addi %add3A_25, %broadcast_in_dim3A_22 : vector<1024x1xi32>
    %eq3A_27 = arith.constant 0 : i32
    %eq3A_28 = arith.cmpi eq, %arg1, %eq3A_27 : i32
    %convert_element_type3A = arith.extui %eq3A_28 : i1 to i32
    %cond3A = arith.constant 0 : i32
    %cond3A_29 = arith.cmpi ne, %convert_element_type3A, %cond3A : i32
    scf.if %cond3A_29 {
      %swap3A = arith.constant 0 : index
      %swap3A_46 = arith.constant 0 : index
      %swap3A_47 = vector.load %arg6[%swap3A, %swap3A_46] : memref<1024x1xf32, #tpu.memory_space<vmem>>, vector<1024x1xf32>
      tpu.vector_store %arg6[%swap3A, %swap3A_46], %broadcast_in_dim3A_17 {strides = array<i32>} : memref<1024x1xf32, #tpu.memory_space<vmem>>, vector<1024x1xf32>,
      %swap3A_48 = arith.constant 0 : index
      %swap3A_49 = arith.constant 0 : index
      %swap3A_50 = vector.load %arg7[%swap3A_48, %swap3A_49] : memref<1024x1xi32, #tpu.memory_space<vmem>>, vector<1024x1xi32>
      tpu.vector_store %arg7[%swap3A_48, %swap3A_49], %add3A_26 {strides = array<i32>} : memref<1024x1xi32, #tpu.memory_space<vmem>>, vector<1024x1xi32>,
    } else {
    }
    %gt3A = arith.constant 0 : i32
    %gt3A_30 = arith.cmpi sgt, %arg1, %gt3A : i32
    %convert_element_type3A_31 = arith.extui %gt3A_30 : i1 to i32
    %cond3A_32 = arith.constant 0 : i32
    %cond3A_33 = arith.cmpi ne, %convert_element_type3A_31, %cond3A_32 : i32
    scf.if %cond3A_33 {
      %get3A_46 = arith.constant 0 : index
      %get3A_47 = arith.constant 0 : index
      %get3A_48 = vector.load %arg6[%get3A_46, %get3A_47] : memref<1024x1xf32, #tpu.memory_space<vmem>>, vector<1024x1xf32>
      %lt3A = arith.cmpf olt, %broadcast_in_dim3A_17, %get3A_48 : vector<1024x1xf32>
      %get3A_49 = arith.constant 0 : index
      %get3A_50 = arith.constant 0 : index
      %get3A_51 = vector.load %arg6[%get3A_49, %get3A_50] : memref<1024x1xf32, #tpu.memory_space<vmem>>, vector<1024x1xf32>
      %select_n3A_52 = arith.select %lt3A, %broadcast_in_dim3A_17, %get3A_51 : vector<1024x1xi1>, vector<1024x1xf32>
      %swap3A = arith.constant 0 : index
      %swap3A_53 = arith.constant 0 : index
      %swap3A_54 = vector.load %arg6[%swap3A, %swap3A_53] : memref<1024x1xf32, #tpu.memory_space<vmem>>, vector<1024x1xf32>
      tpu.vector_store %arg6[%swap3A, %swap3A_53], %select_n3A_52 {strides = array<i32>} : memref<1024x1xf32, #tpu.memory_space<vmem>>, vector<1024x1xf32>,
      %get3A_55 = arith.constant 0 : index
      %get3A_56 = arith.constant 0 : index
      %get3A_57 = vector.load %arg7[%get3A_55, %get3A_56] : memref<1024x1xi32, #tpu.memory_space<vmem>>, vector<1024x1xi32>
      %select_n3A_58 = arith.select %lt3A, %add3A_26, %get3A_57 : vector<1024x1xi1>, vector<1024x1xi32>
      %swap3A_59 = arith.constant 0 : index
      %swap3A_60 = arith.constant 0 : index
      %swap3A_61 = vector.load %arg7[%swap3A_59, %swap3A_60] : memref<1024x1xi32, #tpu.memory_space<vmem>>, vector<1024x1xi32>
      tpu.vector_store %arg7[%swap3A_59, %swap3A_60], %select_n3A_58 {strides = array<i32>} : memref<1024x1xi32, #tpu.memory_space<vmem>>, vector<1024x1xi32>,
    } else {
    }
    %eq3A_34 = arith.constant 0 : i32
    %eq3A_35 = arith.cmpi eq, %arg0, %eq3A_34 : i32
    %eq3A_36 = arith.constant 0 : i32
    %eq3A_37 = arith.cmpi eq, %arg1, %eq3A_36 : i32
    %and3A = arith.andi %eq3A_35, %eq3A_37 : i1
    %convert_element_type3A_38 = arith.extui %and3A : i1 to i32
    %cond3A_39 = arith.constant 0 : i32
    %cond3A_40 = arith.cmpi ne, %convert_element_type3A_38, %cond3A_39 : i32
    scf.if %cond3A_40 {
      %broadcast_in_dim3A_46 = arith.constant 0.000000e+00 : f32
      %broadcast_in_dim3A_47 = vector.broadcast %broadcast_in_dim3A_46 : f32 to vector<1x1xf32>
      %swap3A = arith.constant 0 : index
      %swap3A_48 = arith.constant 0 : index
      %swap3A_49 = vector.load %arg5[%swap3A, %swap3A_48] : memref<1x1xf32, #tpu.memory_space<vmem>>, vector<1x1xf32>
      tpu.vector_store %arg5[%swap3A, %swap3A_48], %broadcast_in_dim3A_47 {strides = array<i32>} : memref<1x1xf32, #tpu.memory_space<vmem>>, vector<1x1xf32>,
    } else {
    }
    %eq3A_41 = arith.constant 7 : i32
    %eq3A_42 = arith.cmpi eq, %arg1, %eq3A_41 : i32
    %convert_element_type3A_43 = arith.extui %eq3A_42 : i1 to i32
    %cond3A_44 = arith.constant 0 : i32
    %cond3A_45 = arith.cmpi ne, %convert_element_type3A_43, %cond3A_44 : i32
    scf.if %cond3A_45 {
      %get3A_46 = arith.constant 0 : index
      %get3A_47 = arith.constant 0 : index
      %get3A_48 = vector.load %arg7[%get3A_46, %get3A_47] : memref<1024x1xi32, #tpu.memory_space<vmem>>, vector<1024x1xi32>
      %swap3A = arith.constant 0 : index
      %swap3A_49 = arith.constant 0 : index
      %swap3A_50 = vector.load %arg4[%swap3A, %swap3A_49] : memref<1024x1xi32, #tpu.memory_space<vmem>>, vector<1024x1xi32>
      tpu.vector_store %arg4[%swap3A, %swap3A_49], %get3A_48 {strides = array<i32>} : memref<1024x1xi32, #tpu.memory_space<vmem>>, vector<1024x1xi32>,
      %get3A_51 = arith.constant 0 : index
      %get3A_52 = arith.constant 0 : index
      %get3A_53 = vector.load %arg5[%get3A_51, %get3A_52] : memref<1x1xf32, #tpu.memory_space<vmem>>, vector<1x1xf32>
      %get3A_54 = arith.constant 0 : index
      %get3A_55 = arith.constant 0 : index
      %get3A_56 = vector.load %arg6[%get3A_54, %get3A_55] : memref<1024x1xf32, #tpu.memory_space<vmem>>, vector<1024x1xf32>
      %reduce_sum3A_57 = vector.shape_cast %get3A_56 : vector<1024x1xf32> to vector<1x1024x1xf32>
      %reduce_sum3A_58 = arith.constant dense<0.000000e+00> : vector<1xf32>
      %reduce_sum3A_59 = vector.multi_reduction <add>, %reduce_sum3A_57, %reduce_sum3A_58 [1, 2] : vector<1x1024x1xf32> to vector<1xf32>
      %reduce_sum3A_60 = vector.shape_cast %reduce_sum3A_59 : vector<1xf32> to vector<1x1x1xf32>
      %reduce_sum3A_61 = vector.extract %reduce_sum3A_60[0, 0, 0] : f32 from vector<1x1x1xf32>
      %reshape3A = vector.broadcast %reduce_sum3A_61 : f32 to vector<1x1xf32>
      %add3A_62 = arith.addf %get3A_53, %reshape3A : vector<1x1xf32>
      %swap3A_63 = arith.constant 0 : index
      %swap3A_64 = arith.constant 0 : index
      %swap3A_65 = vector.load %arg5[%swap3A_63, %swap3A_64] : memref<1x1xf32, #tpu.memory_space<vmem>>, vector<1x1xf32>
      tpu.vector_store %arg5[%swap3A_63, %swap3A_64], %add3A_62 {strides = array<i32>} : memref<1x1xf32, #tpu.memory_space<vmem>>, vector<1x1xf32>,
    } else {
    }
    return
  }
  func.func @transform_0(%arg0: i32, %arg1: i32) -> (i32, i32) {
    %c0_i32 = arith.constant 0 : i32
    %c0_i32_0 = arith.constant 0 : i32
    return %arg0, %c0_i32 : i32, i32
  }
  func.func @transform_1(%arg0: i32, %arg1: i32) -> (i32, i32) {
    %c0_i32 = arith.constant 0 : i32
    %c0_i32_0 = arith.constant 0 : i32
    return %arg1, %c0_i32 : i32, i32
  }
  func.func @transform_2(%arg0: i32, %arg1: i32) -> (i32, i32) {
    %c0_i32 = arith.constant 0 : i32
    %c0_i32_0 = arith.constant 0 : i32
    return %arg0, %c0_i32 : i32, i32
  }
  func.func @transform_3(%arg0: i32, %arg1: i32) -> (i32, i32) {
    %c0_i32 = arith.constant 0 : i32
    %c0_i32_0 = arith.constant 0 : i32
    %c0_i32_1 = arith.constant 0 : i32
    return %c0_i32, %c0_i32_0 : i32, i32
  }
}

</mosaic_0001>

<sc_bundles>
// kernel: kernel.5.cloned.1.call-start
scs
__scs_entry_jumppad:
0x0: {  	(pc) =	sbr.rel $0x88, $3  }
0x1: {  	(tag) =	ssettag $0x0;
	lr =	simm.s32 $0x1  }
0x2: {  	[smem:$0x3F9F] =	sst lr;
	_ =	strace $0xD0000000  }
0x3: {  	_ = 	snop  }
0x4: {  	_ = 	snop  }
0x5: {  	_ = 	snop  }
0x6: {  	_ = 	snop  }
0x7: {  	_ = 	snop  }
__scs_overlays_trampoline_lowered:
0x8: {  	[smem:$0x3FAE] =	sst s0  }
0x9: {  	[smem:$0x3FAF] =	sst s1  }
0xa: {  	[smem:$0x3FB0] =	sst s2  }
0xb: {  	[smem:$0x3FB1] =	sst s3  }
0xc: {  	[smem:$0x3FB2] =	sst s4  }
0xd: {  	[smem:$0x3FB3] =	sst s5  }
0xe: {  	[smem:$0x3FB4] =	sst s6  }
0xf: {  	[smem:$0x3FB5] =	sst s7  }
0x10: {  	[smem:$0x3FB6] =	sst s8  }
0x11: {  	[smem:$0x3FB7] =	sst s9;
	s0 =	simm.s32 @!p0 $0x0  }
0x12: {  	s1 =	sld [smem:$0x3F9D];
	s0 =	simm.s32 @p0 $0x1  }
0x13: {  	[smem:$0x3FB8] =	sst s0;
	s0 =	simm.s32 @!p1 $0x0  }
0x14: {  	s2 =	sld [smem:$0x3F9C];
	s0 =	simm.s32 @p1 $0x1  }
0x15: {  	[smem:$0x3FB9] =	sst s0;
	s0 =	simm.s32 @!p2 $0x0  }
0x16: {  	s3 =	sld [smem:$0x3FDB];
	s0 =	simm.s32 @p2 $0x1  }
0x17: {  	s4 =	simm.s32 $0x1BF5;
	[smem:$0x3FBB] =	sst s0  }
0x18: {  	s0 =	sld [smem:$0x3F9E];
	_ =	swait.ge [sflag:s4], $0x0  }
0x19: {  	s7 =	sld [smem:$0x3F9F]  }
0x1a: {  	s8 =	sadd.s32 $0xFFFFE003, lr  }
0x1b: {  	s9 =	sadd.s32 $0xFFFFFEF7, lr;
	s5 =	simm.s32 $0xFFFFFFFF;
	p2 =	slt.u32 s8, $0xFFFFF086  }
0x1c: {  	p1 =	slt.u32 s9, $0xF7A;
	s5 =	simm.s32 @!p2 $0x0  }
0x1d: {  	s5 =	simm.s32 @p1 $0x1;
	p0 =	seq.s32 s7, s2  }
0x1e: {  	s7 =	smul.u32 @!p0 $0xF7A, s2;
	p2 =	seq.s32 @!p0 s5, $0x0  }
0x1f: {  	s9 =	smul.u32 $0xF7A, s1;
	s8 =	simm.s32 @!p0 $0x1BF5;
	p2 =	por !p2, p0  }
0x20: {  	[sflag:s8] =	ssyncset.s32 @!p0 $0xFFFFF086;
	s6 =	sadd.s32 @!p0 s3, s7;
	s7 =	simm.s32 @!p0 $0x108  }
0x21: {  	s3 =	sadd.s32 s3, s9;
	s6 =	sadd.s32 @!p0 $0x88, s6;
	s7 =	simm.s32 @p2 $0x1082  }
0x22: {  	[simem:s7], [sflag:s8] =	dma.local @!p0 [hbm:s6], $0xF7A  }
0x23: {  	s9 =	sor.u32 $0xD0000000, s2;
	s6 =	simm.s32 $0x108;
	_ =	swait.ge @!p0 [sflag:s8], $0x0  }
0x24: {  	s3 =	sadd.s32 $0x88, s3;
	s6 =	simm.s32 @!p1 $0x1082;
	[sflag:s4] =	ssyncset.s32 $0xFFFFF086  }
0x25: {  	[simem:s6], [sflag:s4] =	dma.local [hbm:s3], $0xF7A  }
0x26: {  	[smem:$0x3F9F] =	sst s1;
	(tag) =	ssettag s2;
	_ =	strace s9  }
0x27: {  	s1 =	sld [smem:$0x3FAF]  }
0x28: {  	s2 =	sld [smem:$0x3FB0]  }
0x29: {  	s4 =	sld [smem:$0x3FB2]  }
0x2a: {  	p0 =	seq.s32 s5, $0x0;
	s5 =	sld [smem:$0x3FB3]  }
0x2b: {  	s6 =	sld [smem:$0x3FB4]  }
0x2c: {  	s7 =	sld [smem:$0x3FB5]  }
0x2d: {  	s3 =	simm.s32 $0x108;
	s8 =	sld [smem:$0x3FB6]  }
0x2e: {  	s3 =	simm.s32 @!p0 $0x1082;
	s9 =	sld [smem:$0x3FB7]  }
0x2f: {  	lr =	sadd.s32 s0, s3;
	s0 =	sld [smem:$0x3FAE]  }
0x30: {  	s3 =	sld [smem:$0x3FB1]  }
0x31: {  	[smem:$0x3FBA] =	sst s10  }
0x32: {  	s10 =	sld [smem:$0x3FB8];
	_ =	sdelay $0x3  }
0x33: {  	p0 =	seq.s32 s10, $0x1;
	s10 =	sld [smem:$0x3FBA];
	_ =	sdelay $0x3  }
0x34: {  	[smem:$0x3FBA] =	sst s10  }
0x35: {  	s10 =	sld [smem:$0x3FB9];
	_ =	sdelay $0x3  }
0x36: {  	p1 =	seq.s32 s10, $0x1;
	s10 =	sld [smem:$0x3FBA];
	_ =	sdelay $0x3  }
0x37: {  	[smem:$0x3FBA] =	sst s10  }
0x38: {  	s10 =	sld [smem:$0x3FBB]  }
0x39: {  	_ = 	snop;
	(pc) =	sbr.ind lr, $3  }
0x3a: {  	_ = 	snop  }
0x3b: {  	_ = 	snop  }
0x3c: {  	p2 =	seq.s32 s10, $0x1;
	s10 =	sld [smem:$0x3FBA]  }
0x3d: {  	_ =	shalt  }
0x3e: {  	_ =	shalt  }
0x3f: {  	_ =	shalt  }
0x40: {  	_ =	shalt  }
0x41: {  	_ =	shalt  }
0x42: {  	_ =	shalt  }
0x43: {  	_ =	shalt  }
0x44: {  	_ =	shalt  }
0x45: {  	_ =	shalt  }
0x46: {  	_ =	shalt  }
0x47: {  	_ =	shalt  }
0x48: {  	_ =	shalt  }
0x49: {  	_ =	shalt  }
0x4a: {  	_ =	shalt  }
0x4b: {  	_ =	shalt  }
0x4c: {  	_ =	shalt  }
0x4d: {  	_ =	shalt  }
0x4e: {  	_ =	shalt  }
0x4f: {  	_ =	shalt  }
0x50: {  	_ =	shalt  }
0x51: {  	_ =	shalt  }
0x52: {  	_ =	shalt  }
0x53: {  	_ =	shalt  }
0x54: {  	_ =	shalt  }
0x55: {  	_ =	shalt  }
0x56: {  	_ =	shalt  }
0x57: {  	_ =	shalt  }
0x58: {  	_ =	shalt  }
0x59: {  	_ =	shalt  }
0x5a: {  	_ =	shalt  }
0x5b: {  	_ =	shalt  }
0x5c: {  	_ =	shalt  }
0x5d: {  	_ =	shalt  }
0x5e: {  	_ =	shalt  }
0x5f: {  	_ =	shalt  }
0x60: {  	_ =	shalt  }
0x61: {  	_ =	shalt  }
0x62: {  	_ =	shalt  }
0x63: {  	_ =	shalt  }
0x64: {  	_ =	shalt  }
0x65: {  	_ =	shalt  }
0x66: {  	_ =	shalt  }
0x67: {  	_ =	shalt  }
0x68: {  	_ =	shalt  }
0x69: {  	_ =	shalt  }
0x6a: {  	_ =	shalt  }
0x6b: {  	_ =	shalt  }
0x6c: {  	_ =	shalt  }
0x6d: {  	_ =	shalt  }
0x6e: {  	_ =	shalt  }
0x6f: {  	_ =	shalt  }
0x70: {  	_ =	shalt  }
0x71: {  	_ =	shalt  }
0x72: {  	_ =	shalt  }
0x73: {  	_ =	shalt  }
0x74: {  	_ =	shalt  }
0x75: {  	_ =	shalt  }
0x76: {  	_ =	shalt  }
0x77: {  	_ =	shalt  }
0x78: {  	_ =	shalt  }
0x79: {  	_ =	shalt  }
0x7a: {  	_ =	shalt  }
0x7b: {  	_ =	shalt  }
0x7c: {  	_ =	shalt  }
0x7d: {  	_ =	shalt  }
0x7e: {  	_ =	shalt  }
0x7f: {  	_ =	shalt  }
0x80: {  	_ =	shalt  }
0x81: {  	_ =	shalt  }
0x82: {  	_ =	shalt  }
0x83: {  	_ =	shalt  }
0x84: {  	_ =	shalt  }
0x85: {  	_ =	shalt  }
0x86: {  	_ =	shalt  }
0x87: {  	_ =	shalt  }
.Lfunc_end0:
.L_simem_size_0:
called_computation_lowered:
.L_overlay_start_0:
0x88: {  	s2 =	sld [smem:$0x3FD9]  }
0x89: {  	s3 =	sld [smem:$0x3FFE];
	_ =	sdelay $0x1  }
0x8a: {  	s1 =	srdreg.scid  }
0x8b: {  	s0 =	sand.u32 $0x1, s1  }
0x8c: {  	s14 =	sshll.u32 s0, $0xA;
	s2 =	sadd.s32 s3, s2  }
0x8d: {  	s2 =	sadd.s32 s2, s14  }
0x8e: {  	[smem:$0x3FC6] =	sst s2  }
0x8f: {  	_ = 	snop  }
0x90: {  	s2 =	sld [smem:$0x3FD0];
	_ =	sdelay $0x2  }
0x91: {  	s4 =	simm.s32 $0xA;
	s5 =	simm.s32 $0x10;
	s15 =	sld [smem:$0x3FC8]  }
0x92: {  	[smem:s5], [sflag:s4] =	dma.local [hbm:s2], $0x1  }
0x93: {  	_ =	swait.eq [sflag:s4], $0x1  }
0x94: {  	[sflag:s4] =	ssyncset.done $0x0  }
0x95: {  	[sflag:s4] =	ssyncadd.s32 $0xFFFFFFFF  }
0x96: {  	s16 =	sld [smem:$0x10];
	(tm) =	ssettm $0x1  }
0x97: {  	s17 =	sld [smem:$0x3FFB];
	_ =	sdelay $0x3  }
0x98: {  	_ =	strace s17  }
0x99: {  	s4 =	sld [smem:$0x3FFC];
	_ =	sdelay $0x3  }
0x9a: {  	_ =	strace s4  }
0x9b: {  	s4 =	sld [smem:$0x3FFD];
	_ =	sdelay $0x3  }
0x9c: {  	_ =	strace s4  }
0x9d: {  	_ =	strace $0x8FFFFFFF  }
0x9e: {  	s18 =	sld [smem:$0x3FDB];
	_ =	sdelay $0x1  }
0x9f: {  	s19 =	simm.s32 $_scs_section_size  }
0xa0: {  	s6 =	simm.s32 $_size__tile_overlayer_lowered;
	s7 =	simm.s32 $_tile_overlayer_lowered  }
0xa1: {  	s22 =	simm.s32 $0x1BFF;
	s21 =	sshll.u32 s7, $0x1;
	s4 =	sadd.s32 s19, s18  }
0xa2: {  	s8 =	simm.s32 $0x0;
	s20 =	sshll.u32 s6, $0x1;
	s6 =	sadd.s32 s21, s4  }
0xa3: {  	[timem:s8], [sflag:s22] =	dma.local [hbm:s6], s20  }
0xa4: {  	_ =	swait.ge [sflag:s22], s20  }
0xa5: {  	s5 =	ssub.s32 $0x0, s20;
	[sflag:s22] =	ssyncset.done $0x0  }
0xa6: {  	[sflag:s22] =	ssyncadd.s32 s5;
	_ =	sdelay $0x1  }
0xa7: {  	s23 =	simm.s32 $0x1B8B  }
0xa8: {  	_ =	swait.ge [sflag:s23], $0x1  }
0xa9: {  	[sflag:s23] =	ssyncset.done $0x0  }
0xaa: {  	s25 =	simm.s32 $0x1B8E;
	s24 =	sld [smem:$0x3FFE];
	[sflag:s23] =	ssyncadd.s32 $0xFFFFFFFF  }
0xab: {  	s26 =	simm.s32 $execute0_lowered;
	[smem:$0x3FD2] =	sst s25  }
0xac: {  	s6 =	sshll.u32 s26, $0x1;
	_ =	strace $0x80000046;
	[dreg:$0x1] =	wrdreg $0xFFFFFFFF  }
0xad: {  	s28 =	simm.s32 $_size_execute0_lowered;
	s4 =	sadd.s32 s4, s6;
	[dreg:$0x0] =	wrdreg $0x0  }
0xae: {  	s6 =	sshll.u32 s28, $0x1;
	[dreg:$0x2] =	wrdreg s4  }
0xaf: {  	[dreg:$0x3] =	wrdreg s6  }
0xb0: {  	[dreg:$0x4] =	wrdreg $0xC0  }
0xb1: {  	_ =	task [dreg:s8], $0x5FFFF  }
0xb2: {  	[dreg:$0x1] =	wrdreg $0xFFFFFFFF  }
0xb3: {  	[dreg:$0x0] =	wrdreg $0x60  }
0xb4: {  	[dreg:$0x2] =	wrdreg s15  }
0xb5: {  	[dreg:$0x3] =	wrdreg s24  }
0xb6: {  	[dreg:$0x4] =	wrdreg s16  }
0xb7: {  	[dreg:$0x5] =	wrdreg $0x9  }
0xb8: {  	_ =	task.clear_ibuf [dreg:s8], $0x6FFFF;
	_ =	strace $0x90000046  }
0xb9: {  	s29 =	simm.s32 $0x9;
	_ =	strace $0x80000048  }
0xba: {  	_ =	swait.ge [sflag:s29], $0x1  }
0xbb: {  	[sflag:s29] =	ssyncadd.s32 $0xFFFFFFFF  }
0xbc: {  	_ =	strace $0x90000048  }
0xbd: {  	_ =	sfence  }
0xbe: {  	s30 =	sld [smem:$0x0];
	_ =	sdelay $0x2  }
0xbf: {  	s31 =	sshll.u32 s1, $0xD;
	s1 =	sshrl.u32 s1, $0x2  }
0xc0: {  	s3 =	sand.u32 $0x4000, s31;
	s1 =	sadd.s32 s1, s30  }
0xc1: {  	s0 =	sor.u32 s3, s0;
	s1 =	sshll.u32 s1, $0x11  }
0xc2: {  	s0 =	sor.u32 s1, s0  }
0xc3: {  	s0 =	sadd.s32 $0x8F2B, s0  }
0xc4: {  	[sflag:s0] =	ssyncadd.remote.s32 $0x1  }
0xc5: {  	_ =	sfence.sel $0xFFFF  }
0xc6: {  	[dreg:$0x0] =	wrdreg $0xFFFFFFFF;
	(pc) =	sbr.abs _section_cstart, $3  }
0xc7: {  	[dreg:$0x1] =	wrdreg $0xFFFFFFFF  }
0xc8: {  	_ =	task.clear_ibuf [dreg:s8], $0x2FFFF;
	_ =	strace $0x9FFFFFFF  }
0xc9: {  	(tm) =	ssettm $0x7FFFFFFF  }
tec
execute0_lowered:
.L_overlay_start_1:
0x0: {  	(tag) =	ssettag $0x1  }
0x1: {  	s1 =	rddreg [dreg:$0x0]  }
0x2: {  	s0 =	rddreg [dreg:$0x1]  }
0x3: {  	s2 =	rddreg [dreg:$0x2]  }
0x4: {  	s3 =	simm.s32 $0x0;
	s8 =	stileid.u32;
	s4 =	srdreg.scid  }
0x5: {  	s14 =	simm.s32 $0x2;
	s28 =	simm.s32 $0x4C00;
	s29 =	simm.s32 $0x5400  }
0x6: {  	s30 =	simm.s32 $0x5C00;
	s31 =	simm.s32 $0x6400;
	[smem:$0x7FF] =	sst s3  }
0x7: {  	s5 =	sadd.s32 $0xE00, s0;
	s6 =	sshll.u32 s8, $0xB;
	s4 =	sand.u32 $0x1, s4  }
0x8: {  	s8 =	sshll.u32 s8, $0x1;
	_ =	strace $0x80000047;
	s6 =	sand.u32 $0x6000, s6  }
0x9: {  	s7 =	ssub.s32 $0x2, s4;
	s8 =	sor.u32 s4, s8;
	s0 =	sadd.s32 s6, s0  }
0xa: {  	s15 =	sshrl.u32 s7, $0x1;
	s4 =	sshll.u32 s8, $0x6;
	s16 =	sshll.u32 s8, $0x4  }
0xb: {  	s9 =	sshll.u32 s8, $0x9;
	s17 =	sshll.u32 s8, $0xE;
	s6 =	ssub.s32 s7, s15  }
0xc: {  	s4 =	sadd.s32 s5, s4;
	s7 =	sand.u32 $0x70, s16;
	s18 =	sor.u32 $0x80, s9  }
0xd: {  	s19 =	sadd.s32 s2, s17;
	s22 =	sor.u32 $0x100, s9;
	s12 =	sor.u32 $0x180, s9  }
0xe: {  	s15 =	simm.s32 $0x8400;
	s17 =	simm.s32 $0x400;
	s16 =	simm.s32 $0x7C00  }
0xf: {  	s0 =	sadd.s32 s7, s0;
	[dreg:$0x5] =	wrdreg s19;
	s20 =	sshrl.u32 s18, $0x3  }
0x10: {  	s21 =	sshll.u32 s18, $0x5;
	s23 =	sshrl.u32 s22, $0x3;
	s24 =	sshll.u32 s22, $0x5  }
0x11: {  	s25 =	sshrl.u32 s12, $0x3;
	s26 =	sshll.u32 s12, $0x5;
	s13 =	smax.u32 s6, $0x1  }
0x12: {  	s19 =	simm.s32 $0xC00;
	s22 =	simm.s32 $0x2400;
	s18 =	simm.s32 $0x1  }
0x13: {  	s0 =	sadd.s32 $0x1600, s0;
	s8 =	sadd.s32 s2, s21;
	s9 =	sadd.s32 s5, s23  }
0x14: {  	s10 =	sadd.s32 s2, s24;
	s11 =	sadd.s32 s5, s25;
	s12 =	sadd.s32 s2, s26  }
0x15: {  	s21 =	simm.s32 $0x1C00;
	s23 =	simm.s32 $0x2C00;
	s24 =	simm.s32 $0x3400  }
0x16: {  	v0 =	vimm.s32 $0x0;
	v4 =	vlaneseq.u32;
	s25 =	simm.s32 $0x3C00;
	s26 =	simm.s32 $0x4400;
	s2 =	simm.s32 $0x7400  }
0x17: {  	vm0 =	vmmov $0xffff;
	v1 =	vimm.s32 $0x1;
	v3 =	vshrl.u32 v4, $0x3;
	[dreg:$0x4] =	wrdreg s0;
	s0 =	sadd.s32 s5, s20;
	s20 =	simm.s32 $0x1400  }
0x18: {  	v2 =	vand.u32 $0x7, v4;
	v4 =	vor.u32 $0x8, v4;
	v3 =	vmul.u32 $0x8, v3;
	s5 =	simm.s32 $0x0;
	[dreg:$0x6] =	wrdreg s0;
	s0 =	simm.s32 $0x6C00  }
.LBB2_1:
0x19: {  	[tilespmem:s3], [sflag:$0x2] =	stream.linear.gather [hbm4b:s4+s3], $0x200, $0x38;
	[tilespmem:$0xA400] =	vst v63  }
0x1a: {  	_ =	swait.ge [sflag:s14], $0x200  }
0x1b: {  	[sflag:s14] =	ssyncset.done $0x0  }
0x1c: {  	s6 =	simm.s32 $0x40;
	s7 =	simm.s32 $0x0;
	[sflag:s14] =	ssyncadd.s32 $0xFFFFFE00  }
.LBB2_2:
0x1d: {  	p0 =	sne.s32 s6, $0x7FC0;
	[tilespmem:s7+$0x8400] =	vst v0;
	s7 =	smov.u32 s6;
	s6 =	sadd.s32 $0x40, s6  }
.Ltmp0:
0x1e: {  	(pc) =	sbr.rel @p0 .LBB2_2-.Ltmp0, $2  }
0x1f: {  	_ =	sdelay $0x2  }
0x20: {  	s7 =	sshra.s32 s7, $0x2  }
0x21: {  	[tilespmem:s7+$0x8400] =	vst v0  }
0x22: {  	v5 =	vld [tilespmem:$0x0];
	_ =	sdelay $0x7  }
0x23: {  	[tilespmem:v5+s15+$0x0] =	vst.idx.add.s32.msk $0xffff, v1  }
0x24: {  	v5 =	vld [tilespmem:$0x10];
	_ =	sdelay $0x7  }
0x25: {  	[tilespmem:v5+s15+$0x0] =	vst.idx.add.s32.msk $0xffff, v1  }
0x26: {  	v5 =	vld [tilespmem:$0x20];
	_ =	sdelay $0x7  }
0x27: {  	[tilespmem:v5+s15+$0x0] =	vst.idx.add.s32.msk $0xffff, v1  }
0x28: {  	v5 =	vld [tilespmem:$0x30];
	_ =	sdelay $0x7  }
0x29: {  	[tilespmem:v5+s15+$0x0] =	vst.idx.add.s32.msk $0xffff, v1  }
0x2a: {  	v5 =	vld [tilespmem:$0x40];
	_ =	sdelay $0x7  }
0x2b: {  	[tilespmem:v5+s15+$0x0] =	vst.idx.add.s32.msk $0xffff, v1  }
0x2c: {  	v5 =	vld [tilespmem:$0x50];
	_ =	sdelay $0x7  }
0x2d: {  	[tilespmem:v5+s15+$0x0] =	vst.idx.add.s32.msk $0xffff, v1  }
0x2e: {  	v5 =	vld [tilespmem:$0x60];
	_ =	sdelay $0x7  }
0x2f: {  	[tilespmem:v5+s15+$0x0] =	vst.idx.add.s32.msk $0xffff, v1  }
0x30: {  	v5 =	vld [tilespmem:$0x70];
	_ =	sdelay $0x7  }
0x31: {  	[tilespmem:v5+s15+$0x0] =	vst.idx.add.s32.msk $0xffff, v1  }
0x32: {  	v5 =	vld [tilespmem:$0x80];
	_ =	sdelay $0x7  }
0x33: {  	[tilespmem:v5+s15+$0x0] =	vst.idx.add.s32.msk $0xffff, v1  }
0x34: {  	v5 =	vld [tilespmem:$0x90];
	_ =	sdelay $0x7  }
0x35: {  	[tilespmem:v5+s15+$0x0] =	vst.idx.add.s32.msk $0xffff, v1  }
0x36: {  	v5 =	vld [tilespmem:$0xA0];
	_ =	sdelay $0x7  }
0x37: {  	[tilespmem:v5+s15+$0x0] =	vst.idx.add.s32.msk $0xffff, v1  }
0x38: {  	v5 =	vld [tilespmem:$0xB0];
	_ =	sdelay $0x7  }
0x39: {  	[tilespmem:v5+s15+$0x0] =	vst.idx.add.s32.msk $0xffff, v1  }
0x3a: {  	v5 =	vld [tilespmem:$0xC0];
	_ =	sdelay $0x7  }
0x3b: {  	[tilespmem:v5+s15+$0x0] =	vst.idx.add.s32.msk $0xffff, v1  }
0x3c: {  	v5 =	vld [tilespmem:$0xD0];
	_ =	sdelay $0x7  }
0x3d: {  	[tilespmem:v5+s15+$0x0] =	vst.idx.add.s32.msk $0xffff, v1  }
0x3e: {  	v5 =	vld [tilespmem:$0xE0];
	_ =	sdelay $0x7  }
0x3f: {  	[tilespmem:v5+s15+$0x0] =	vst.idx.add.s32.msk $0xffff, v1  }
0x40: {  	v5 =	vld [tilespmem:$0xF0];
	_ =	sdelay $0x7  }
0x41: {  	[tilespmem:v5+s15+$0x0] =	vst.idx.add.s32.msk $0xffff, v1  }
0x42: {  	v5 =	vld [tilespmem:$0x100];
	_ =	sdelay $0x7  }
0x43: {  	[tilespmem:v5+s15+$0x0] =	vst.idx.add.s32.msk $0xffff, v1  }
0x44: {  	v5 =	vld [tilespmem:$0x110];
	_ =	sdelay $0x7  }
0x45: {  	[tilespmem:v5+s15+$0x0] =	vst.idx.add.s32.msk $0xffff, v1  }
0x46: {  	v5 =	vld [tilespmem:$0x120];
	_ =	sdelay $0x7  }
0x47: {  	[tilespmem:v5+s15+$0x0] =	vst.idx.add.s32.msk $0xffff, v1  }
0x48: {  	v5 =	vld [tilespmem:$0x130];
	_ =	sdelay $0x7  }
0x49: {  	[tilespmem:v5+s15+$0x0] =	vst.idx.add.s32.msk $0xffff, v1  }
0x4a: {  	v5 =	vld [tilespmem:$0x140];
	_ =	sdelay $0x7  }
0x4b: {  	[tilespmem:v5+s15+$0x0] =	vst.idx.add.s32.msk $0xffff, v1  }
0x4c: {  	v5 =	vld [tilespmem:$0x150];
	_ =	sdelay $0x7  }
0x4d: {  	[tilespmem:v5+s15+$0x0] =	vst.idx.add.s32.msk $0xffff, v1  }
0x4e: {  	v5 =	vld [tilespmem:$0x160];
	_ =	sdelay $0x7  }
0x4f: {  	[tilespmem:v5+s15+$0x0] =	vst.idx.add.s32.msk $0xffff, v1  }
0x50: {  	v5 =	vld [tilespmem:$0x170];
	_ =	sdelay $0x7  }
0x51: {  	[tilespmem:v5+s15+$0x0] =	vst.idx.add.s32.msk $0xffff, v1  }
0x52: {  	v5 =	vld [tilespmem:$0x180];
	_ =	sdelay $0x7  }
0x53: {  	[tilespmem:v5+s15+$0x0] =	vst.idx.add.s32.msk $0xffff, v1  }
0x54: {  	v5 =	vld [tilespmem:$0x190];
	_ =	sdelay $0x7  }
0x55: {  	[tilespmem:v5+s15+$0x0] =	vst.idx.add.s32.msk $0xffff, v1  }
0x56: {  	v5 =	vld [tilespmem:$0x1A0];
	_ =	sdelay $0x7  }
0x57: {  	[tilespmem:v5+s15+$0x0] =	vst.idx.add.s32.msk $0xffff, v1  }
0x58: {  	v5 =	vld [tilespmem:$0x1B0];
	_ =	sdelay $0x7  }
0x59: {  	[tilespmem:v5+s15+$0x0] =	vst.idx.add.s32.msk $0xffff, v1  }
0x5a: {  	v5 =	vld [tilespmem:$0x1C0];
	_ =	sdelay $0x7  }
0x5b: {  	[tilespmem:v5+s15+$0x0] =	vst.idx.add.s32.msk $0xffff, v1  }
0x5c: {  	v5 =	vld [tilespmem:$0x1D0];
	_ =	sdelay $0x7  }
0x5d: {  	[tilespmem:v5+s15+$0x0] =	vst.idx.add.s32.msk $0xffff, v1  }
0x5e: {  	v5 =	vld [tilespmem:$0x1E0];
	_ =	sdelay $0x7  }
0x5f: {  	[tilespmem:v5+s15+$0x0] =	vst.idx.add.s32.msk $0xffff, v1  }
0x60: {  	v5 =	vld [tilespmem:$0x1F0];
	_ =	sdelay $0x7  }
0x61: {  	s6 =	rddreg [dreg:$0x4];
	s7 =	simm.s32 $0x80;
	[tilespmem:v5+s15+$0x0] =	vst.idx.add.s32.msk $0xffff, v1  }
0x62: {  	[hbm4b:s6+s7] =	stream.strided.scatter [tilespmem:s15], [sflag:$0x2], $0x2000, s17, s7, $0x38;
	[tilespmem:$0xA400] =	vst v63  }
0x63: {  	_ =	swait.ge [sflag:s14], $0x2000  }
0x64: {  	[sflag:s14] =	ssyncset.done $0x0  }
0x65: {  	s7 =	simm.s32 $0x200;
	[sflag:s14] =	ssyncadd.s32 $0xFFFFE000  }
0x66: {  	[tilespmem:s7], [sflag:$0x2] =	stream.linear.gather [hbm4b:s4+s3], $0x80, $0x38;
	[tilespmem:$0xA400] =	vst v63  }
0x67: {  	_ =	swait.ge [sflag:s14], $0x80  }
0x68: {  	[sflag:s14] =	ssyncset.done $0x0  }
0x69: {  	[sflag:s14] =	ssyncadd.s32 $0xFFFFFF80  }
0x6a: {  	v5 =	vld [tilespmem:$0x200];
	_ =	sdelay $0x4  }
0x6b: {  	v6 =	vshll.u32 v5, $0x1  }
0x6c: {  	v5 =	vand.u32 $0x7, v5;
	v6 =	vand.u32 $0xFFFFFFF0, v6  }
0x6d: {  	v5 =	vor.u32 v5, v6  }
0x6e: {  	v6 =	vperm.xlane v5, v2;
	_ =	sdelay $0x1  }
0x6f: {  	v5 =	vperm.xlane v5, v4;
	v6 =	vadd.s32 v3, v6;
	_ =	sdelay $0x1  }
0x70: {  	v5 =	vadd.s32 v3, v5;
	_ =	sdelay $0x2  }
0x71: {  	[tilespmem:s17], [sflag:$0x1] =	stream.indirect_vreg.gather [hbm4b:s1+s3], $0x80, v6, vm0, $0xb8;
	[tilespmem:$0xA400] =	vst v63  }
0x72: {  	_ = 	snop  }
0x73: {  	[tilespmem:s19], [sflag:$0x1] =	stream.indirect_vreg.gather [hbm4b:s1+s3], $0x80, v5, vm0, $0xb8;
	[tilespmem:$0xA400] =	vst v63  }
0x74: {  	v5 =	vld [tilespmem:$0x210];
	_ =	sdelay $0x4  }
0x75: {  	v6 =	vshll.u32 v5, $0x1  }
0x76: {  	v5 =	vand.u32 $0x7, v5;
	v6 =	vand.u32 $0xFFFFFFF0, v6  }
0x77: {  	v5 =	vor.u32 v5, v6  }
0x78: {  	v6 =	vperm.xlane v5, v2;
	_ =	sdelay $0x1  }
0x79: {  	v5 =	vperm.xlane v5, v4;
	v6 =	vadd.s32 v3, v6;
	_ =	sdelay $0x1  }
0x7a: {  	v5 =	vadd.s32 v3, v5;
	_ =	sdelay $0x2  }
0x7b: {  	[tilespmem:s20], [sflag:$0x1] =	stream.indirect_vreg.gather [hbm4b:s1+s3], $0x80, v6, vm0, $0xb8;
	[tilespmem:$0xA400] =	vst v63  }
0x7c: {  	_ = 	snop  }
0x7d: {  	[tilespmem:s21], [sflag:$0x1] =	stream.indirect_vreg.gather [hbm4b:s1+s3], $0x80, v5, vm0, $0xb8;
	[tilespmem:$0xA400] =	vst v63  }
0x7e: {  	v5 =	vld [tilespmem:$0x220];
	_ =	sdelay $0x4  }
0x7f: {  	v6 =	vshll.u32 v5, $0x1  }
0x80: {  	v5 =	vand.u32 $0x7, v5;
	v6 =	vand.u32 $0xFFFFFFF0, v6  }
0x81: {  	v5 =	vor.u32 v5, v6  }
0x82: {  	v6 =	vperm.xlane v5, v2;
	_ =	sdelay $0x1  }
0x83: {  	v5 =	vperm.xlane v5, v4;
	v6 =	vadd.s32 v3, v6;
	_ =	sdelay $0x1  }
0x84: {  	v5 =	vadd.s32 v3, v5;
	_ =	sdelay $0x2  }
0x85: {  	[tilespmem:s22], [sflag:$0x1] =	stream.indirect_vreg.gather [hbm4b:s1+s3], $0x80, v6, vm0, $0xb8;
	[tilespmem:$0xA400] =	vst v63  }
0x86: {  	_ = 	snop  }
0x87: {  	[tilespmem:s23], [sflag:$0x1] =	stream.indirect_vreg.gather [hbm4b:s1+s3], $0x80, v5, vm0, $0xb8;
	[tilespmem:$0xA400] =	vst v63  }
0x88: {  	v5 =	vld [tilespmem:$0x230];
	_ =	sdelay $0x4  }
0x89: {  	v6 =	vshll.u32 v5, $0x1  }
0x8a: {  	v5 =	vand.u32 $0x7, v5;
	v6 =	vand.u32 $0xFFFFFFF0, v6  }
0x8b: {  	v5 =	vor.u32 v5, v6  }
0x8c: {  	v6 =	vperm.xlane v5, v2;
	_ =	sdelay $0x1  }
0x8d: {  	v5 =	vperm.xlane v5, v4;
	v6 =	vadd.s32 v3, v6;
	_ =	sdelay $0x1  }
0x8e: {  	v5 =	vadd.s32 v3, v5;
	_ =	sdelay $0x2  }
0x8f: {  	[tilespmem:s24], [sflag:$0x1] =	stream.indirect_vreg.gather [hbm4b:s1+s3], $0x80, v6, vm0, $0xb8;
	[tilespmem:$0xA400] =	vst v63  }
0x90: {  	_ = 	snop  }
0x91: {  	[tilespmem:s25], [sflag:$0x1] =	stream.indirect_vreg.gather [hbm4b:s1+s3], $0x80, v5, vm0, $0xb8;
	[tilespmem:$0xA400] =	vst v63  }
0x92: {  	v5 =	vld [tilespmem:$0x240];
	_ =	sdelay $0x4  }
0x93: {  	v6 =	vshll.u32 v5, $0x1  }
0x94: {  	v5 =	vand.u32 $0x7, v5;
	v6 =	vand.u32 $0xFFFFFFF0, v6  }
0x95: {  	v5 =	vor.u32 v5, v6  }
0x96: {  	v6 =	vperm.xlane v5, v2;
	_ =	sdelay $0x1  }
0x97: {  	v5 =	vperm.xlane v5, v4;
	v6 =	vadd.s32 v3, v6;
	_ =	sdelay $0x1  }
0x98: {  	v5 =	vadd.s32 v3, v5;
	_ =	sdelay $0x2  }
0x99: {  	[tilespmem:s26], [sflag:$0x1] =	stream.indirect_vreg.gather [hbm4b:s1+s3], $0x80, v6, vm0, $0xb8;
	[tilespmem:$0xA400] =	vst v63  }
0x9a: {  	_ = 	snop  }
0x9b: {  	[tilespmem:s28], [sflag:$0x1] =	stream.indirect_vreg.gather [hbm4b:s1+s3], $0x80, v5, vm0, $0xb8;
	[tilespmem:$0xA400] =	vst v63  }
0x9c: {  	v5 =	vld [tilespmem:$0x250];
	_ =	sdelay $0x4  }
0x9d: {  	v6 =	vshll.u32 v5, $0x1  }
0x9e: {  	v5 =	vand.u32 $0x7, v5;
	v6 =	vand.u32 $0xFFFFFFF0, v6  }
0x9f: {  	v5 =	vor.u32 v5, v6  }
0xa0: {  	v6 =	vperm.xlane v5, v2;
	_ =	sdelay $0x1  }
0xa1: {  	v5 =	vperm.xlane v5, v4;
	v6 =	vadd.s32 v3, v6;
	_ =	sdelay $0x1  }
0xa2: {  	v5 =	vadd.s32 v3, v5;
	_ =	sdelay $0x2  }
0xa3: {  	[tilespmem:s29], [sflag:$0x1] =	stream.indirect_vreg.gather [hbm4b:s1+s3], $0x80, v6, vm0, $0xb8;
	[tilespmem:$0xA400] =	vst v63  }
0xa4: {  	_ = 	snop  }
0xa5: {  	[tilespmem:s30], [sflag:$0x1] =	stream.indirect_vreg.gather [hbm4b:s1+s3], $0x80, v5, vm0, $0xb8;
	[tilespmem:$0xA400] =	vst v63  }
0xa6: {  	v5 =	vld [tilespmem:$0x260];
	_ =	sdelay $0x4  }
0xa7: {  	v6 =	vshll.u32 v5, $0x1  }
0xa8: {  	v5 =	vand.u32 $0x7, v5;
	v6 =	vand.u32 $0xFFFFFFF0, v6  }
0xa9: {  	v5 =	vor.u32 v5, v6  }
0xaa: {  	v6 =	vperm.xlane v5, v2;
	_ =	sdelay $0x1  }
0xab: {  	v5 =	vperm.xlane v5, v4;
	v6 =	vadd.s32 v3, v6;
	_ =	sdelay $0x1  }
0xac: {  	v5 =	vadd.s32 v3, v5;
	_ =	sdelay $0x2  }
0xad: {  	[tilespmem:s31], [sflag:$0x1] =	stream.indirect_vreg.gather [hbm4b:s1+s3], $0x80, v6, vm0, $0xb8;
	[tilespmem:$0xA400] =	vst v63  }
0xae: {  	_ = 	snop  }
0xaf: {  	[tilespmem:s0], [sflag:$0x1] =	stream.indirect_vreg.gather [hbm4b:s1+s3], $0x80, v5, vm0, $0xb8;
	[tilespmem:$0xA400] =	vst v63  }
0xb0: {  	v5 =	vld [tilespmem:$0x270];
	_ =	sdelay $0x4  }
0xb1: {  	v6 =	vshll.u32 v5, $0x1  }
0xb2: {  	v5 =	vand.u32 $0x7, v5;
	v6 =	vand.u32 $0xFFFFFFF0, v6  }
0xb3: {  	v5 =	vor.u32 v5, v6  }
0xb4: {  	v6 =	vperm.xlane v5, v2;
	_ =	sdelay $0x1  }
0xb5: {  	v5 =	vperm.xlane v5, v4;
	v6 =	vadd.s32 v3, v6;
	_ =	sdelay $0x1  }
0xb6: {  	v5 =	vadd.s32 v3, v5;
	_ =	sdelay $0x2  }
0xb7: {  	[tilespmem:s2], [sflag:$0x1] =	stream.indirect_vreg.gather [hbm4b:s1+s3], $0x80, v6, vm0, $0xb8;
	[tilespmem:$0xA400] =	vst v63  }
0xb8: {  	_ = 	snop  }
0xb9: {  	[tilespmem:s16], [sflag:$0x1] =	stream.indirect_vreg.gather [hbm4b:s1+s3], $0x80, v5, vm0, $0xb8;
	[tilespmem:$0xA400] =	vst v63  }
0xba: {  	_ =	swait.ge [sflag:s18], $0x8000  }
0xbb: {  	[sflag:s18] =	ssyncset.done $0x0  }
0xbc: {  	s7 =	rddreg [dreg:$0x5];
	[sflag:s18] =	ssyncadd.s32 $0xFFFF8000  }
0xbd: {  	[hbm4b:s7+s3] =	stream.linear.scatter [tilespmem:s17], [sflag:$0x2], $0x8000, $0x38;
	[tilespmem:$0xA400] =	vst v63  }
0xbe: {  	_ =	swait.ge [sflag:s14], $0x8000  }
0xbf: {  	[sflag:s14] =	ssyncset.done $0x0  }
0xc0: {  	s7 =	simm.s32 $0x280;
	s6 =	rddreg [dreg:$0x6];
	[sflag:s14] =	ssyncadd.s32 $0xFFFF8000  }
0xc1: {  	[tilespmem:s7], [sflag:$0x2] =	stream.linear.gather [hbm4b:s6+s3], $0x80, $0x38;
	[tilespmem:$0xA400] =	vst v63  }
0xc2: {  	_ =	swait.ge [sflag:s14], $0x80  }
0xc3: {  	[sflag:s14] =	ssyncset.done $0x0  }
0xc4: {  	[sflag:s14] =	ssyncadd.s32 $0xFFFFFF80  }
0xc5: {  	v5 =	vld [tilespmem:$0x280];
	_ =	sdelay $0x4  }
0xc6: {  	v6 =	vshll.u32 v5, $0x1  }
0xc7: {  	v5 =	vand.u32 $0x7, v5;
	v6 =	vand.u32 $0xFFFFFFF0, v6  }
0xc8: {  	v5 =	vor.u32 v5, v6  }
0xc9: {  	v6 =	vperm.xlane v5, v2;
	_ =	sdelay $0x1  }
0xca: {  	v5 =	vperm.xlane v5, v4;
	v6 =	vadd.s32 v3, v6;
	_ =	sdelay $0x1  }
0xcb: {  	v5 =	vadd.s32 v3, v5;
	_ =	sdelay $0x2  }
0xcc: {  	[tilespmem:s17], [sflag:$0x1] =	stream.indirect_vreg.gather [hbm4b:s1+s3], $0x80, v6, vm0, $0xb8;
	[tilespmem:$0xA400] =	vst v63  }
0xcd: {  	_ = 	snop  }
0xce: {  	[tilespmem:s19], [sflag:$0x1] =	stream.indirect_vreg.gather [hbm4b:s1+s3], $0x80, v5, vm0, $0xb8;
	[tilespmem:$0xA400] =	vst v63  }
0xcf: {  	v5 =	vld [tilespmem:$0x290];
	_ =	sdelay $0x4  }
0xd0: {  	v6 =	vshll.u32 v5, $0x1  }
0xd1: {  	v5 =	vand.u32 $0x7, v5;
	v6 =	vand.u32 $0xFFFFFFF0, v6  }
0xd2: {  	v5 =	vor.u32 v5, v6  }
0xd3: {  	v6 =	vperm.xlane v5, v2;
	_ =	sdelay $0x1  }
0xd4: {  	v5 =	vperm.xlane v5, v4;
	v6 =	vadd.s32 v3, v6;
	_ =	sdelay $0x1  }
0xd5: {  	v5 =	vadd.s32 v3, v5;
	_ =	sdelay $0x2  }
0xd6: {  	[tilespmem:s20], [sflag:$0x1] =	stream.indirect_vreg.gather [hbm4b:s1+s3], $0x80, v6, vm0, $0xb8;
	[tilespmem:$0xA400] =	vst v63  }
0xd7: {  	_ = 	snop  }
0xd8: {  	[tilespmem:s21], [sflag:$0x1] =	stream.indirect_vreg.gather [hbm4b:s1+s3], $0x80, v5, vm0, $0xb8;
	[tilespmem:$0xA400] =	vst v63  }
0xd9: {  	v5 =	vld [tilespmem:$0x2A0];
	_ =	sdelay $0x4  }
0xda: {  	v6 =	vshll.u32 v5, $0x1  }
0xdb: {  	v5 =	vand.u32 $0x7, v5;
	v6 =	vand.u32 $0xFFFFFFF0, v6  }
0xdc: {  	v5 =	vor.u32 v5, v6  }
0xdd: {  	v6 =	vperm.xlane v5, v2;
	_ =	sdelay $0x1  }
0xde: {  	v5 =	vperm.xlane v5, v4;
	v6 =	vadd.s32 v3, v6;
	_ =	sdelay $0x1  }
0xdf: {  	v5 =	vadd.s32 v3, v5;
	_ =	sdelay $0x2  }
0xe0: {  	[tilespmem:s22], [sflag:$0x1] =	stream.indirect_vreg.gather [hbm4b:s1+s3], $0x80, v6, vm0, $0xb8;
	[tilespmem:$0xA400] =	vst v63  }
0xe1: {  	_ = 	snop  }
0xe2: {  	[tilespmem:s23], [sflag:$0x1] =	stream.indirect_vreg.gather [hbm4b:s1+s3], $0x80, v5, vm0, $0xb8;
	[tilespmem:$0xA400] =	vst v63  }
0xe3: {  	v5 =	vld [tilespmem:$0x2B0];
	_ =	sdelay $0x4  }
0xe4: {  	v6 =	vshll.u32 v5, $0x1  }
0xe5: {  	v5 =	vand.u32 $0x7, v5;
	v6 =	vand.u32 $0xFFFFFFF0, v6  }
0xe6: {  	v5 =	vor.u32 v5, v6  }
0xe7: {  	v6 =	vperm.xlane v5, v2;
	_ =	sdelay $0x1  }
0xe8: {  	v5 =	vperm.xlane v5, v4;
	v6 =	vadd.s32 v3, v6;
	_ =	sdelay $0x1  }
0xe9: {  	v5 =	vadd.s32 v3, v5;
	_ =	sdelay $0x2  }
0xea: {  	[tilespmem:s24], [sflag:$0x1] =	stream.indirect_vreg.gather [hbm4b:s1+s3], $0x80, v6, vm0, $0xb8;
	[tilespmem:$0xA400] =	vst v63  }
0xeb: {  	_ = 	snop  }
0xec: {  	[tilespmem:s25], [sflag:$0x1] =	stream.indirect_vreg.gather [hbm4b:s1+s3], $0x80, v5, vm0, $0xb8;
	[tilespmem:$0xA400] =	vst v63  }
0xed: {  	v5 =	vld [tilespmem:$0x2C0];
	_ =	sdelay $0x4  }
0xee: {  	v6 =	vshll.u32 v5, $0x1  }
0xef: {  	v5 =	vand.u32 $0x7, v5;
	v6 =	vand.u32 $0xFFFFFFF0, v6  }
0xf0: {  	v5 =	vor.u32 v5, v6  }
0xf1: {  	v6 =	vperm.xlane v5, v2;
	_ =	sdelay $0x1  }
0xf2: {  	v5 =	vperm.xlane v5, v4;
	v6 =	vadd.s32 v3, v6;
	_ =	sdelay $0x1  }
0xf3: {  	v5 =	vadd.s32 v3, v5;
	_ =	sdelay $0x2  }
0xf4: {  	[tilespmem:s26], [sflag:$0x1] =	stream.indirect_vreg.gather [hbm4b:s1+s3], $0x80, v6, vm0, $0xb8;
	[tilespmem:$0xA400] =	vst v63  }
0xf5: {  	_ = 	snop  }
0xf6: {  	[tilespmem:s28], [sflag:$0x1] =	stream.indirect_vreg.gather [hbm4b:s1+s3], $0x80, v5, vm0, $0xb8;
	[tilespmem:$0xA400] =	vst v63  }
0xf7: {  	v5 =	vld [tilespmem:$0x2D0];
	_ =	sdelay $0x4  }
0xf8: {  	v6 =	vshll.u32 v5, $0x1  }
0xf9: {  	v5 =	vand.u32 $0x7, v5;
	v6 =	vand.u32 $0xFFFFFFF0, v6  }
0xfa: {  	v5 =	vor.u32 v5, v6  }
0xfb: {  	v6 =	vperm.xlane v5, v2;
	_ =	sdelay $0x1  }
0xfc: {  	v5 =	vperm.xlane v5, v4;
	v6 =	vadd.s32 v3, v6;
	_ =	sdelay $0x1  }
0xfd: {  	v5 =	vadd.s32 v3, v5;
	_ =	sdelay $0x2  }
0xfe: {  	[tilespmem:s29], [sflag:$0x1] =	stream.indirect_vreg.gather [hbm4b:s1+s3], $0x80, v6, vm0, $0xb8;
	[tilespmem:$0xA400] =	vst v63  }
0xff: {  	_ = 	snop  }
0x100: {  	[tilespmem:s30], [sflag:$0x1] =	stream.indirect_vreg.gather [hbm4b:s1+s3], $0x80, v5, vm0, $0xb8;
	[tilespmem:$0xA400] =	vst v63  }
0x101: {  	v5 =	vld [tilespmem:$0x2E0];
	_ =	sdelay $0x4  }
0x102: {  	v6 =	vshll.u32 v5, $0x1  }
0x103: {  	v5 =	vand.u32 $0x7, v5;
	v6 =	vand.u32 $0xFFFFFFF0, v6  }
0x104: {  	v5 =	vor.u32 v5, v6  }
0x105: {  	v6 =	vperm.xlane v5, v2;
	_ =	sdelay $0x1  }
0x106: {  	v5 =	vperm.xlane v5, v4;
	v6 =	vadd.s32 v3, v6;
	_ =	sdelay $0x1  }
0x107: {  	v5 =	vadd.s32 v3, v5;
	_ =	sdelay $0x2  }
0x108: {  	[tilespmem:s31], [sflag:$0x1] =	stream.indirect_vreg.gather [hbm4b:s1+s3], $0x80, v6, vm0, $0xb8;
	[tilespmem:$0xA400] =	vst v63  }
0x109: {  	_ = 	snop  }
0x10a: {  	[tilespmem:s0], [sflag:$0x1] =	stream.indirect_vreg.gather [hbm4b:s1+s3], $0x80, v5, vm0, $0xb8;
	[tilespmem:$0xA400] =	vst v63  }
0x10b: {  	v5 =	vld [tilespmem:$0x2F0];
	_ =	sdelay $0x4  }
0x10c: {  	v6 =	vshll.u32 v5, $0x1  }
0x10d: {  	v5 =	vand.u32 $0x7, v5;
	v6 =	vand.u32 $0xFFFFFFF0, v6  }
0x10e: {  	v5 =	vor.u32 v5, v6  }
0x10f: {  	v6 =	vperm.xlane v5, v2;
	_ =	sdelay $0x1  }
0x110: {  	v5 =	vperm.xlane v5, v4;
	v6 =	vadd.s32 v3, v6;
	_ =	sdelay $0x1  }
0x111: {  	v5 =	vadd.s32 v3, v5;
	_ =	sdelay $0x2  }
0x112: {  	[tilespmem:s2], [sflag:$0x1] =	stream.indirect_vreg.gather [hbm4b:s1+s3], $0x80, v6, vm0, $0xb8;
	[tilespmem:$0xA400] =	vst v63  }
0x113: {  	_ = 	snop  }
0x114: {  	[tilespmem:s16], [sflag:$0x1] =	stream.indirect_vreg.gather [hbm4b:s1+s3], $0x80, v5, vm0, $0xb8;
	[tilespmem:$0xA400] =	vst v63  }
0x115: {  	_ =	swait.ge [sflag:s18], $0x8000  }
0x116: {  	[sflag:s18] =	ssyncset.done $0x0  }
0x117: {  	[sflag:s18] =	ssyncadd.s32 $0xFFFF8000  }
0x118: {  	[hbm4b:s8+s3] =	stream.linear.scatter [tilespmem:s17], [sflag:$0x2], $0x8000, $0x38;
	[tilespmem:$0xA400] =	vst v63  }
0x119: {  	_ =	swait.ge [sflag:s14], $0x8000  }
0x11a: {  	[sflag:s14] =	ssyncset.done $0x0  }
0x11b: {  	s7 =	simm.s32 $0x300;
	[sflag:s14] =	ssyncadd.s32 $0xFFFF8000  }
0x11c: {  	[tilespmem:s7], [sflag:$0x2] =	stream.linear.gather [hbm4b:s9+s3], $0x80, $0x38;
	[tilespmem:$0xA400] =	vst v63  }
0x11d: {  	_ =	swait.ge [sflag:s14], $0x80  }
0x11e: {  	[sflag:s14] =	ssyncset.done $0x0  }
0x11f: {  	[sflag:s14] =	ssyncadd.s32 $0xFFFFFF80  }
0x120: {  	v5 =	vld [tilespmem:$0x300];
	_ =	sdelay $0x4  }
0x121: {  	v6 =	vshll.u32 v5, $0x1  }
0x122: {  	v5 =	vand.u32 $0x7, v5;
	v6 =	vand.u32 $0xFFFFFFF0, v6  }
0x123: {  	v5 =	vor.u32 v5, v6  }
0x124: {  	v6 =	vperm.xlane v5, v2;
	_ =	sdelay $0x1  }
0x125: {  	v5 =	vperm.xlane v5, v4;
	v6 =	vadd.s32 v3, v6;
	_ =	sdelay $0x1  }
0x126: {  	v5 =	vadd.s32 v3, v5;
	_ =	sdelay $0x2  }
0x127: {  	[tilespmem:s17], [sflag:$0x1] =	stream.indirect_vreg.gather [hbm4b:s1+s3], $0x80, v6, vm0, $0xb8;
	[tilespmem:$0xA400] =	vst v63  }
0x128: {  	_ = 	snop  }
0x129: {  	[tilespmem:s19], [sflag:$0x1] =	stream.indirect_vreg.gather [hbm4b:s1+s3], $0x80, v5, vm0, $0xb8;
	[tilespmem:$0xA400] =	vst v63  }
0x12a: {  	v5 =	vld [tilespmem:$0x310];
	_ =	sdelay $0x4  }
0x12b: {  	v6 =	vshll.u32 v5, $0x1  }
0x12c: {  	v5 =	vand.u32 $0x7, v5;
	v6 =	vand.u32 $0xFFFFFFF0, v6  }
0x12d: {  	v5 =	vor.u32 v5, v6  }
0x12e: {  	v6 =	vperm.xlane v5, v2;
	_ =	sdelay $0x1  }
0x12f: {  	v5 =	vperm.xlane v5, v4;
	v6 =	vadd.s32 v3, v6;
	_ =	sdelay $0x1  }
0x130: {  	v5 =	vadd.s32 v3, v5;
	_ =	sdelay $0x2  }
0x131: {  	[tilespmem:s20], [sflag:$0x1] =	stream.indirect_vreg.gather [hbm4b:s1+s3], $0x80, v6, vm0, $0xb8;
	[tilespmem:$0xA400] =	vst v63  }
0x132: {  	_ = 	snop  }
0x133: {  	[tilespmem:s21], [sflag:$0x1] =	stream.indirect_vreg.gather [hbm4b:s1+s3], $0x80, v5, vm0, $0xb8;
	[tilespmem:$0xA400] =	vst v63  }
0x134: {  	v5 =	vld [tilespmem:$0x320];
	_ =	sdelay $0x4  }
0x135: {  	v6 =	vshll.u32 v5, $0x1  }
0x136: {  	v5 =	vand.u32 $0x7, v5;
	v6 =	vand.u32 $0xFFFFFFF0, v6  }
0x137: {  	v5 =	vor.u32 v5, v6  }
0x138: {  	v6 =	vperm.xlane v5, v2;
	_ =	sdelay $0x1  }
0x139: {  	v5 =	vperm.xlane v5, v4;
	v6 =	vadd.s32 v3, v6;
	_ =	sdelay $0x1  }
0x13a: {  	v5 =	vadd.s32 v3, v5;
	_ =	sdelay $0x2  }
0x13b: {  	[tilespmem:s22], [sflag:$0x1] =	stream.indirect_vreg.gather [hbm4b:s1+s3], $0x80, v6, vm0, $0xb8;
	[tilespmem:$0xA400] =	vst v63  }
0x13c: {  	_ = 	snop  }
0x13d: {  	[tilespmem:s23], [sflag:$0x1] =	stream.indirect_vreg.gather [hbm4b:s1+s3], $0x80, v5, vm0, $0xb8;
	[tilespmem:$0xA400] =	vst v63  }
0x13e: {  	v5 =	vld [tilespmem:$0x330];
	_ =	sdelay $0x4  }
0x13f: {  	v6 =	vshll.u32 v5, $0x1  }
0x140: {  	v5 =	vand.u32 $0x7, v5;
	v6 =	vand.u32 $0xFFFFFFF0, v6  }
0x141: {  	v5 =	vor.u32 v5, v6  }
0x142: {  	v6 =	vperm.xlane v5, v2;
	_ =	sdelay $0x1  }
0x143: {  	v5 =	vperm.xlane v5, v4;
	v6 =	vadd.s32 v3, v6;
	_ =	sdelay $0x1  }
0x144: {  	v5 =	vadd.s32 v3, v5;
	_ =	sdelay $0x2  }
0x145: {  	[tilespmem:s24], [sflag:$0x1] =	stream.indirect_vreg.gather [hbm4b:s1+s3], $0x80, v6, vm0, $0xb8;
	[tilespmem:$0xA400] =	vst v63  }
0x146: {  	_ = 	snop  }
0x147: {  	[tilespmem:s25], [sflag:$0x1] =	stream.indirect_vreg.gather [hbm4b:s1+s3], $0x80, v5, vm0, $0xb8;
	[tilespmem:$0xA400] =	vst v63  }
0x148: {  	v5 =	vld [tilespmem:$0x340];
	_ =	sdelay $0x4  }
0x149: {  	v6 =	vshll.u32 v5, $0x1  }
0x14a: {  	v5 =	vand.u32 $0x7, v5;
	v6 =	vand.u32 $0xFFFFFFF0, v6  }
0x14b: {  	v5 =	vor.u32 v5, v6  }
0x14c: {  	v6 =	vperm.xlane v5, v2;
	_ =	sdelay $0x1  }
0x14d: {  	v5 =	vperm.xlane v5, v4;
	v6 =	vadd.s32 v3, v6;
	_ =	sdelay $0x1  }
0x14e: {  	v5 =	vadd.s32 v3, v5;
	_ =	sdelay $0x2  }
0x14f: {  	[tilespmem:s26], [sflag:$0x1] =	stream.indirect_vreg.gather [hbm4b:s1+s3], $0x80, v6, vm0, $0xb8;
	[tilespmem:$0xA400] =	vst v63  }
0x150: {  	_ = 	snop  }
0x151: {  	[tilespmem:s28], [sflag:$0x1] =	stream.indirect_vreg.gather [hbm4b:s1+s3], $0x80, v5, vm0, $0xb8;
	[tilespmem:$0xA400] =	vst v63  }
0x152: {  	v5 =	vld [tilespmem:$0x350];
	_ =	sdelay $0x4  }
0x153: {  	v6 =	vshll.u32 v5, $0x1  }
0x154: {  	v5 =	vand.u32 $0x7, v5;
	v6 =	vand.u32 $0xFFFFFFF0, v6  }
0x155: {  	v5 =	vor.u32 v5, v6  }
0x156: {  	v6 =	vperm.xlane v5, v2;
	_ =	sdelay $0x1  }
0x157: {  	v5 =	vperm.xlane v5, v4;
	v6 =	vadd.s32 v3, v6;
	_ =	sdelay $0x1  }
0x158: {  	v5 =	vadd.s32 v3, v5;
	_ =	sdelay $0x2  }
0x159: {  	[tilespmem:s29], [sflag:$0x1] =	stream.indirect_vreg.gather [hbm4b:s1+s3], $0x80, v6, vm0, $0xb8;
	[tilespmem:$0xA400] =	vst v63  }
0x15a: {  	_ = 	snop  }
0x15b: {  	[tilespmem:s30], [sflag:$0x1] =	stream.indirect_vreg.gather [hbm4b:s1+s3], $0x80, v5, vm0, $0xb8;
	[tilespmem:$0xA400] =	vst v63  }
0x15c: {  	v5 =	vld [tilespmem:$0x360];
	_ =	sdelay $0x4  }
0x15d: {  	v6 =	vshll.u32 v5, $0x1  }
0x15e: {  	v5 =	vand.u32 $0x7, v5;
	v6 =	vand.u32 $0xFFFFFFF0, v6  }
0x15f: {  	v5 =	vor.u32 v5, v6  }
0x160: {  	v6 =	vperm.xlane v5, v2;
	_ =	sdelay $0x1  }
0x161: {  	v5 =	vperm.xlane v5, v4;
	v6 =	vadd.s32 v3, v6;
	_ =	sdelay $0x1  }
0x162: {  	v5 =	vadd.s32 v3, v5;
	_ =	sdelay $0x2  }
0x163: {  	[tilespmem:s31], [sflag:$0x1] =	stream.indirect_vreg.gather [hbm4b:s1+s3], $0x80, v6, vm0, $0xb8;
	[tilespmem:$0xA400] =	vst v63  }
0x164: {  	_ = 	snop  }
0x165: {  	[tilespmem:s0], [sflag:$0x1] =	stream.indirect_vreg.gather [hbm4b:s1+s3], $0x80, v5, vm0, $0xb8;
	[tilespmem:$0xA400] =	vst v63  }
0x166: {  	v5 =	vld [tilespmem:$0x370];
	_ =	sdelay $0x4  }
0x167: {  	v6 =	vshll.u32 v5, $0x1  }
0x168: {  	v5 =	vand.u32 $0x7, v5;
	v6 =	vand.u32 $0xFFFFFFF0, v6  }
0x169: {  	v5 =	vor.u32 v5, v6  }
0x16a: {  	v6 =	vperm.xlane v5, v2;
	_ =	sdelay $0x1  }
0x16b: {  	v5 =	vperm.xlane v5, v4;
	v6 =	vadd.s32 v3, v6;
	_ =	sdelay $0x1  }
0x16c: {  	v5 =	vadd.s32 v3, v5;
	_ =	sdelay $0x2  }
0x16d: {  	[tilespmem:s2], [sflag:$0x1] =	stream.indirect_vreg.gather [hbm4b:s1+s3], $0x80, v6, vm0, $0xb8;
	[tilespmem:$0xA400] =	vst v63  }
0x16e: {  	_ = 	snop  }
0x16f: {  	[tilespmem:s16], [sflag:$0x1] =	stream.indirect_vreg.gather [hbm4b:s1+s3], $0x80, v5, vm0, $0xb8;
	[tilespmem:$0xA400] =	vst v63  }
0x170: {  	_ =	swait.ge [sflag:s18], $0x8000  }
0x171: {  	[sflag:s18] =	ssyncset.done $0x0  }
0x172: {  	[sflag:s18] =	ssyncadd.s32 $0xFFFF8000  }
0x173: {  	[hbm4b:s10+s3] =	stream.linear.scatter [tilespmem:s17], [sflag:$0x2], $0x8000, $0x38;
	[tilespmem:$0xA400] =	vst v63  }
0x174: {  	_ =	swait.ge [sflag:s14], $0x8000  }
0x175: {  	[sflag:s14] =	ssyncset.done $0x0  }
0x176: {  	s7 =	simm.s32 $0x380;
	[sflag:s14] =	ssyncadd.s32 $0xFFFF8000  }
0x177: {  	[tilespmem:s7], [sflag:$0x2] =	stream.linear.gather [hbm4b:s11+s3], $0x80, $0x38;
	[tilespmem:$0xA400] =	vst v63  }
0x178: {  	_ =	swait.ge [sflag:s14], $0x80  }
0x179: {  	[sflag:s14] =	ssyncset.done $0x0  }
0x17a: {  	[sflag:s14] =	ssyncadd.s32 $0xFFFFFF80  }
0x17b: {  	v5 =	vld [tilespmem:$0x380];
	_ =	sdelay $0x4  }
0x17c: {  	v6 =	vshll.u32 v5, $0x1  }
0x17d: {  	v5 =	vand.u32 $0x7, v5;
	v6 =	vand.u32 $0xFFFFFFF0, v6  }
0x17e: {  	v5 =	vor.u32 v5, v6  }
0x17f: {  	v6 =	vperm.xlane v5, v2;
	_ =	sdelay $0x1  }
0x180: {  	v5 =	vperm.xlane v5, v4;
	v6 =	vadd.s32 v3, v6;
	_ =	sdelay $0x1  }
0x181: {  	v5 =	vadd.s32 v3, v5;
	_ =	sdelay $0x2  }
0x182: {  	[tilespmem:s17], [sflag:$0x1] =	stream.indirect_vreg.gather [hbm4b:s1+s3], $0x80, v6, vm0, $0xb8;
	[tilespmem:$0xA400] =	vst v63  }
0x183: {  	_ = 	snop  }
0x184: {  	[tilespmem:s19], [sflag:$0x1] =	stream.indirect_vreg.gather [hbm4b:s1+s3], $0x80, v5, vm0, $0xb8;
	[tilespmem:$0xA400] =	vst v63  }
0x185: {  	v5 =	vld [tilespmem:$0x390];
	_ =	sdelay $0x4  }
0x186: {  	v6 =	vshll.u32 v5, $0x1  }
0x187: {  	v5 =	vand.u32 $0x7, v5;
	v6 =	vand.u32 $0xFFFFFFF0, v6  }
0x188: {  	v5 =	vor.u32 v5, v6  }
0x189: {  	v6 =	vperm.xlane v5, v2;
	_ =	sdelay $0x1  }
0x18a: {  	v5 =	vperm.xlane v5, v4;
	v6 =	vadd.s32 v3, v6;
	_ =	sdelay $0x1  }
0x18b: {  	v5 =	vadd.s32 v3, v5;
	_ =	sdelay $0x2  }
0x18c: {  	[tilespmem:s20], [sflag:$0x1] =	stream.indirect_vreg.gather [hbm4b:s1+s3], $0x80, v6, vm0, $0xb8;
	[tilespmem:$0xA400] =	vst v63  }
0x18d: {  	_ = 	snop  }
0x18e: {  	[tilespmem:s21], [sflag:$0x1] =	stream.indirect_vreg.gather [hbm4b:s1+s3], $0x80, v5, vm0, $0xb8;
	[tilespmem:$0xA400] =	vst v63  }
0x18f: {  	v5 =	vld [tilespmem:$0x3A0];
	_ =	sdelay $0x4  }
0x190: {  	v6 =	vshll.u32 v5, $0x1  }
0x191: {  	v5 =	vand.u32 $0x7, v5;
	v6 =	vand.u32 $0xFFFFFFF0, v6  }
0x192: {  	v5 =	vor.u32 v5, v6  }
0x193: {  	v6 =	vperm.xlane v5, v2;
	_ =	sdelay $0x1  }
0x194: {  	v5 =	vperm.xlane v5, v4;
	v6 =	vadd.s32 v3, v6;
	_ =	sdelay $0x1  }
0x195: {  	v5 =	vadd.s32 v3, v5;
	_ =	sdelay $0x2  }
0x196: {  	[tilespmem:s22], [sflag:$0x1] =	stream.indirect_vreg.gather [hbm4b:s1+s3], $0x80, v6, vm0, $0xb8;
	[tilespmem:$0xA400] =	vst v63  }
0x197: {  	_ = 	snop  }
0x198: {  	[tilespmem:s23], [sflag:$0x1] =	stream.indirect_vreg.gather [hbm4b:s1+s3], $0x80, v5, vm0, $0xb8;
	[tilespmem:$0xA400] =	vst v63  }
0x199: {  	v5 =	vld [tilespmem:$0x3B0];
	_ =	sdelay $0x4  }
0x19a: {  	v6 =	vshll.u32 v5, $0x1  }
0x19b: {  	v5 =	vand.u32 $0x7, v5;
	v6 =	vand.u32 $0xFFFFFFF0, v6  }
0x19c: {  	v5 =	vor.u32 v5, v6  }
0x19d: {  	v6 =	vperm.xlane v5, v2;
	_ =	sdelay $0x1  }
0x19e: {  	v5 =	vperm.xlane v5, v4;
	v6 =	vadd.s32 v3, v6;
	_ =	sdelay $0x1  }
0x19f: {  	v5 =	vadd.s32 v3, v5;
	_ =	sdelay $0x2  }
0x1a0: {  	[tilespmem:s24], [sflag:$0x1] =	stream.indirect_vreg.gather [hbm4b:s1+s3], $0x80, v6, vm0, $0xb8;
	[tilespmem:$0xA400] =	vst v63  }
0x1a1: {  	_ = 	snop  }
0x1a2: {  	[tilespmem:s25], [sflag:$0x1] =	stream.indirect_vreg.gather [hbm4b:s1+s3], $0x80, v5, vm0, $0xb8;
	[tilespmem:$0xA400] =	vst v63  }
0x1a3: {  	v5 =	vld [tilespmem:$0x3C0];
	_ =	sdelay $0x4  }
0x1a4: {  	v6 =	vshll.u32 v5, $0x1  }
0x1a5: {  	v5 =	vand.u32 $0x7, v5;
	v6 =	vand.u32 $0xFFFFFFF0, v6  }
0x1a6: {  	v5 =	vor.u32 v5, v6  }
0x1a7: {  	v6 =	vperm.xlane v5, v2;
	_ =	sdelay $0x1  }
0x1a8: {  	v5 =	vperm.xlane v5, v4;
	v6 =	vadd.s32 v3, v6;
	_ =	sdelay $0x1  }
0x1a9: {  	v5 =	vadd.s32 v3, v5;
	_ =	sdelay $0x2  }
0x1aa: {  	[tilespmem:s26], [sflag:$0x1] =	stream.indirect_vreg.gather [hbm4b:s1+s3], $0x80, v6, vm0, $0xb8;
	[tilespmem:$0xA400] =	vst v63  }
0x1ab: {  	_ = 	snop  }
0x1ac: {  	[tilespmem:s28], [sflag:$0x1] =	stream.indirect_vreg.gather [hbm4b:s1+s3], $0x80, v5, vm0, $0xb8;
	[tilespmem:$0xA400] =	vst v63  }
0x1ad: {  	v5 =	vld [tilespmem:$0x3D0];
	_ =	sdelay $0x4  }
0x1ae: {  	v6 =	vshll.u32 v5, $0x1  }
0x1af: {  	v5 =	vand.u32 $0x7, v5;
	v6 =	vand.u32 $0xFFFFFFF0, v6  }
0x1b0: {  	v5 =	vor.u32 v5, v6  }
0x1b1: {  	v6 =	vperm.xlane v5, v2;
	_ =	sdelay $0x1  }
0x1b2: {  	v5 =	vperm.xlane v5, v4;
	v6 =	vadd.s32 v3, v6;
	_ =	sdelay $0x1  }
0x1b3: {  	v5 =	vadd.s32 v3, v5;
	_ =	sdelay $0x2  }
0x1b4: {  	[tilespmem:s29], [sflag:$0x1] =	stream.indirect_vreg.gather [hbm4b:s1+s3], $0x80, v6, vm0, $0xb8;
	[tilespmem:$0xA400] =	vst v63  }
0x1b5: {  	_ = 	snop  }
0x1b6: {  	[tilespmem:s30], [sflag:$0x1] =	stream.indirect_vreg.gather [hbm4b:s1+s3], $0x80, v5, vm0, $0xb8;
	[tilespmem:$0xA400] =	vst v63  }
0x1b7: {  	v5 =	vld [tilespmem:$0x3E0];
	_ =	sdelay $0x4  }
0x1b8: {  	v6 =	vshll.u32 v5, $0x1  }
0x1b9: {  	v5 =	vand.u32 $0x7, v5;
	v6 =	vand.u32 $0xFFFFFFF0, v6  }
0x1ba: {  	v5 =	vor.u32 v5, v6  }
0x1bb: {  	v6 =	vperm.xlane v5, v2;
	_ =	sdelay $0x1  }
0x1bc: {  	v5 =	vperm.xlane v5, v4;
	v6 =	vadd.s32 v3, v6;
	_ =	sdelay $0x1  }
0x1bd: {  	v5 =	vadd.s32 v3, v5;
	_ =	sdelay $0x2  }
0x1be: {  	[tilespmem:s31], [sflag:$0x1] =	stream.indirect_vreg.gather [hbm4b:s1+s3], $0x80, v6, vm0, $0xb8;
	[tilespmem:$0xA400] =	vst v63  }
0x1bf: {  	_ = 	snop  }
0x1c0: {  	[tilespmem:s0], [sflag:$0x1] =	stream.indirect_vreg.gather [hbm4b:s1+s3], $0x80, v5, vm0, $0xb8;
	[tilespmem:$0xA400] =	vst v63  }
0x1c1: {  	v5 =	vld [tilespmem:$0x3F0];
	_ =	sdelay $0x4  }
0x1c2: {  	v6 =	vshll.u32 v5, $0x1  }
0x1c3: {  	v5 =	vand.u32 $0x7, v5;
	v6 =	vand.u32 $0xFFFFFFF0, v6  }
0x1c4: {  	v5 =	vor.u32 v5, v6  }
0x1c5: {  	v6 =	vperm.xlane v5, v2;
	_ =	sdelay $0x1  }
0x1c6: {  	v5 =	vperm.xlane v5, v4;
	v6 =	vadd.s32 v3, v6;
	_ =	sdelay $0x1  }
0x1c7: {  	v5 =	vadd.s32 v3, v5;
	_ =	sdelay $0x2  }
0x1c8: {  	[tilespmem:s2], [sflag:$0x1] =	stream.indirect_vreg.gather [hbm4b:s1+s3], $0x80, v6, vm0, $0xb8;
	[tilespmem:$0xA400] =	vst v63  }
0x1c9: {  	_ = 	snop  }
0x1ca: {  	[tilespmem:s16], [sflag:$0x1] =	stream.indirect_vreg.gather [hbm4b:s1+s3], $0x80, v5, vm0, $0xb8;
	[tilespmem:$0xA400] =	vst v63  }
0x1cb: {  	s5 =	sadd.s32 $0x1, s5;
	_ =	swait.ge [sflag:s18], $0x8000  }
0x1cc: {  	p0 =	sne.s32 s5, s13;
	[sflag:s18] =	ssyncset.done $0x0  }
.Ltmp1:
0x1cd: {  	[sflag:s18] =	ssyncadd.s32 $0xFFFF8000;
	(pc) =	sbr.rel @p0 .LBB2_1-.Ltmp1, $4  }
0x1ce: {  	[hbm4b:s12+s3] =	stream.linear.scatter [tilespmem:s17], [sflag:$0x2], $0x8000, $0x38;
	[tilespmem:$0xA400] =	vst v63  }
0x1cf: {  	_ =	swait.ge [sflag:s14], $0x8000  }
0x1d0: {  	[sflag:s14] =	ssyncset.done $0x0  }
0x1d1: {  	[sflag:s14] =	ssyncadd.s32 $0xFFFF8000  }
0x1d2: {  	_ =	sfence.sel $0x180000  }
0x1d3: {  	[bflag:$0x0] =	sbarrier.arrive $0xFFFF  }
0x1d4: {  	_ =	strace $0x90000047  }
0x1d5: {  	s0 =	stileid.u32;
	[bflag:$0x2] =	sbarrier.arrive $0xFFFF  }
0x1d6: {  	p0 =	sne.s32 s0, $0x0;
	s0 =	rddreg [dreg:$0x3]  }
0x1d7: {  	s0 =	sadd.s32 @!p0 $0x100000, s0  }
0x1d8: {  	[sflag:s0] =	ssyncadd.tile.s32 @!p0 $0x1;
	_ =	shalt  }
.Lfunc_end2:
_tile_overlayer_lowered:
.L_overlay_start_2:
0x1d9: {  	(tag) =	ssettag $0x2  }
0x1da: {  	s0 =	rddreg [dreg:$0x0];
	s2 =	stileid.u32  }
0x1db: {  	s1 =	rddreg [dreg:$0x1];
	p0 =	sne.s32 s2, $0x0  }
0x1dc: {  	s3 =	rddreg [dreg:$0x2];
	[bflag:$0x3] =	sbarrier.arrive $0xFFFF;
	s2 =	simm.s32 @!p0 $0x1C02  }
0x1dd: {  	[timem:s3], [sflag:s2] =	dma.local @!p0 [hbm:s0], s1  }
0x1de: {  	s0 =	simm.s32 @!p0 $0x2  }
0x1df: {  	_ =	swait.ge @!p0 [sflag:s0], s1  }
0x1e0: {  	s1 =	ssub.s32 @!p0 $0x0, s1;
	[sflag:s0] =	ssyncset.done @!p0 $0x0  }
0x1e1: {  	[sflag:s0] =	ssyncadd.s32 @!p0 s1  }
0x1e2: {  	[bflag:$0x3] =	sbarrier.arrive $0xFFFF  }
0x1e3: {  	_ =	shalt  }

</sc_bundles>
